<compile_context>
chip_gen: v7x
topology: tpu7x:2x2x1
jax: 0.10.2.dev20260603
libtpu: 0.0.44.dev20260713+nightly
codegen_flags: <defaults>
</compile_context>

<pallas_src>
import functools

import jax
import jax.numpy as jnp
import numpy as np
from jax import lax
from jax.experimental import pallas as pl
from jax.experimental.pallas import tpu as pltpu
from jax.experimental.pallas import tpu_sc as plsc

N = 10000
E = 160000
D = 128
SH = 4
NB = 8
MID = D * SH
N_ATTR = 10
AVG = 16.0

NW = 32
OP = 128
NCHUNK = 2
OPW = 20
E_CH = NW * OPW * OP
E_PAD = NCHUNK * E_CH
N_PAD = 10240
ROWS_PER_TILE = N_PAD // 16

EDGE_BLOCK = 2048
NODE_BLOCK = 1000
OUT_BLOCK = 1024


def _mesh():
    return plsc.VectorSubcoreMesh(core_axis_name="c", subcore_axis_name="s")


def _wnf_body(nf_ref, w_ref, o_ref):
    o_ref[...] = jnp.dot(nf_ref[...], w_ref[...],
                         preferred_element_type=jnp.float32)


def _wnf_call(node_feats, w_node):
    return pl.pallas_call(
        _wnf_body,
        grid=(N // NODE_BLOCK,),
        in_specs=[
            pl.BlockSpec((NODE_BLOCK, D), lambda i: (i, 0)),
            pl.BlockSpec((D, D), lambda i: (0, 0)),
        ],
        out_specs=pl.BlockSpec((NODE_BLOCK, D), lambda i: (i, 0)),
        out_shape=jax.ShapeDtypeStruct((N, D), jnp.float32),
    )(node_feats, w_node)


def _sc_gather_call(table, idx3d):

    @functools.partial(
        pl.kernel,
        out_type=jax.ShapeDtypeStruct((E_CH, D), jnp.float32),
        mesh=_mesh(),
        scratch_types=[
            pltpu.VMEM((OPW, OP), jnp.int32),
            [pltpu.VMEM((OP, D), jnp.float32) for _ in range(4)],
            [pltpu.SemaphoreType.DMA for _ in range(4)],
            [pltpu.SemaphoreType.DMA for _ in range(4)],
        ],
    )
    def k(table_hbm, idx_hbm, out_hbm, idx_v, rows, gsems, ssems):
        wid = lax.axis_index("s") * 2 + lax.axis_index("c")
        row0 = wid * OPW
        pltpu.sync_copy(idx_hbm.at[wid], idx_v)

        def body(p, carry):
            base = 4 * p
            gs = [pltpu.async_copy(table_hbm.at[idx_v.at[base + j]], rows[j],
                                   gsems[j]) for j in range(4)]
            sts = []
            for j in range(4):
                gs[j].wait()
                sts.append(pltpu.async_copy(
                    rows[j], out_hbm.at[pl.ds((row0 + base + j) * OP, OP)],
                    ssems[j]))
            for st in sts:
                st.wait()
            return carry

        lax.fori_loop(0, OPW // 4, body, 0)

    return k(table, idx3d)


def _edge_body(ef_ref, ea_ref, hs_ref, w1_ref, w2_ref, w3_ref, w4_ref,
               wmsg_ref, o_ref):
    x = ef_ref[...]
    h = jax.nn.silu(jnp.dot(x, w1_ref[...], preferred_element_type=jnp.float32))
    h = jax.nn.silu(jnp.dot(h, w2_ref[...], preferred_element_type=jnp.float32))
    h = jax.nn.silu(jnp.dot(h, w3_ref[...], preferred_element_type=jnp.float32))
    w = jnp.dot(h, w4_ref[...], preferred_element_type=jnp.float32)
    hs = hs_ref[...]
    ea = ea_ref[...]
    wmsg = wmsg_ref[...]
    acc = jnp.zeros((EDGE_BLOCK, D), jnp.float32)
    for m in range(SH):
        t = hs * w[:, m * D:(m + 1) * D] * ea[:, m:m + 1]
        acc = acc + jnp.dot(t, wmsg[m * D:(m + 1) * D, :],
                            preferred_element_type=jnp.float32)
    o_ref[...] = acc


def _edge_call(ef, ea, hs_ch, w1, w2, w3, w4, wmsg, chunk):
    blk0 = chunk * (E_CH // EDGE_BLOCK)
    return pl.pallas_call(
        _edge_body,
        grid=(E_CH // EDGE_BLOCK,),
        in_specs=[
            pl.BlockSpec((EDGE_BLOCK, NB), lambda i: (i + blk0, 0)),
            pl.BlockSpec((EDGE_BLOCK, SH), lambda i: (i + blk0, 0)),
            pl.BlockSpec((EDGE_BLOCK, D), lambda i: (i, 0)),
            pl.BlockSpec((NB, 64), lambda i: (0, 0)),
            pl.BlockSpec((64, 64), lambda i: (0, 0)),
            pl.BlockSpec((64, 64), lambda i: (0, 0)),
            pl.BlockSpec((64, MID), lambda i: (0, 0)),
            pl.BlockSpec((MID, D), lambda i: (0, 0)),
        ],
        out_specs=pl.BlockSpec((EDGE_BLOCK, D), lambda i: (i, 0)),
        out_shape=jax.ShapeDtypeStruct((E_CH, D), jnp.float32),
    )(ef, ea, hs_ch, w1, w2, w3, w4, wmsg)


def _sc_scatter_call(msg_ch, ridx3d, init):

    @functools.partial(
        pl.kernel,
        out_type=jax.ShapeDtypeStruct((2, N_PAD, D), jnp.float32),
        mesh=_mesh(),
        scratch_types=[
            pltpu.VMEM((OPW, OP), jnp.int32),
            [pltpu.VMEM((OP, D), jnp.float32) for _ in range(2)],
            pltpu.VMEM_SHARED((N_PAD, D), jnp.float32),
            [pltpu.SemaphoreType.DMA for _ in range(2)],
            pltpu.SemaphoreType.DMA,
        ],
    )
    def k(msg_hbm, idx_hbm, init_hbm, out_hbm, idx_v, rows, acc_sh,
          lsems, scsem):
        c = lax.axis_index("c")
        s = lax.axis_index("s")
        wid = s * 2 + c
        r0 = s * ROWS_PER_TILE
        pltpu.sync_copy(init_hbm.at[c, pl.ds(r0, ROWS_PER_TILE)],
                        acc_sh.at[pl.ds(r0, ROWS_PER_TILE)])
        plsc.subcore_barrier()
        row0 = wid * OPW
        pltpu.sync_copy(idx_hbm.at[wid], idx_v)

        def body(p, carry):
            base = 2 * p
            ls = [pltpu.async_copy(msg_hbm.at[pl.ds((row0 + base + j) * OP,
                                                    OP)], rows[j], lsems[j])
                  for j in range(2)]
            for j in range(2):
                ls[j].wait()
                pltpu.async_copy(rows[j], acc_sh.at[idx_v.at[base + j]],
                                 scsem, add=True).wait()
            return carry

        lax.fori_loop(0, OPW // 2, body, 0)
        plsc.subcore_barrier()
        pltpu.sync_copy(acc_sh.at[pl.ds(r0, ROWS_PER_TILE)],
                        out_hbm.at[c, pl.ds(r0, ROWS_PER_TILE)])

    return k(msg_ch, ridx3d, init)


def _out_body(p_ref, na_ref, wout_ref, o_ref):
    wm = p_ref[0] + p_ref[1]
    na = na_ref[...]
    wout = wout_ref[...]
    acc = jnp.zeros((OUT_BLOCK, D), jnp.float32)
    for a in range(N_ATTR):
        acc = acc + jnp.dot(wm * na[:, a:a + 1], wout[a * D:(a + 1) * D, :],
                            preferred_element_type=jnp.float32)
    o_ref[...] = acc


def _out_call(parts, node_attrs_p, wout):
    return pl.pallas_call(
        _out_body,
        grid=(N_PAD // OUT_BLOCK,),
        in_specs=[
            pl.BlockSpec((2, OUT_BLOCK, D), lambda i: (0, i, 0)),
            pl.BlockSpec((OUT_BLOCK, N_ATTR), lambda i: (i, 0)),
            pl.BlockSpec((N_ATTR * D, D), lambda i: (0, 0)),
        ],
        out_specs=pl.BlockSpec((OUT_BLOCK, D), lambda i: (i, 0)),
        out_shape=jax.ShapeDtypeStruct((N_PAD, D), jnp.float32),
    )(parts, node_attrs_p, wout)


def kernel(node_attrs, node_feats, edge_attrs, edge_feats, edge_index,
           W_node, Wm1, Wm2, Wm3, Wm4, W_msg, W_out):
    sender = edge_index[0].astype(jnp.int32)
    receiver = edge_index[1].astype(jnp.int32)

    pad = E_PAD - E
    sender_c = jnp.pad(sender, (0, pad)).reshape(NCHUNK, NW, OPW, OP)
    receiver_c = jnp.pad(receiver, (0, pad)).reshape(NCHUNK, NW, OPW, OP)
    ef_p = jnp.pad(edge_feats, ((0, pad), (0, 0)))
    ea_p = jnp.pad(edge_attrs, ((0, pad), (0, 0)))

    w1 = Wm1 / np.sqrt(NB)
    w2 = Wm2 / np.sqrt(64.0)
    w3 = Wm3 / np.sqrt(64.0)
    w4 = (Wm4 / np.sqrt(64.0)).reshape(64, D, SH).transpose(0, 2, 1)
    w4 = w4.reshape(64, MID)
    wmsg = (W_msg / AVG).reshape(D, SH, D).transpose(1, 0, 2).reshape(MID, D)
    wout = W_out.transpose(1, 0, 2).reshape(N_ATTR * D, D)

    wnf = _wnf_call(node_feats, W_node)
    parts = jnp.zeros((2, N_PAD, D), jnp.float32)
    for h in range(NCHUNK):
        hs = _sc_gather_call(wnf, sender_c[h])
        msg = _edge_call(ef_p, ea_p, hs, w1, w2, w3, w4, wmsg, h)
        parts = _sc_scatter_call(msg, receiver_c[h], parts)
    na_p = jnp.pad(node_attrs, ((0, N_PAD - N), (0, 0)))
    return _out_call(parts, na_p, wout)[:N]

# --- scband reference (transcript-rebuilt; emitter-appended) ---
"""Pipeline reference for scband-agnostic-nonlinear-interaction-block-23175643529303 (READ-ONLY COPY).

The authoritative reference and input builder live on the scoring server;
editing this copy changes nothing except your own understanding.
"""

import jax, jax.numpy as jnp
import numpy as np

N = 10000
E = 160000
D_FEAT = 128
SH = 4
NB = 8
N_ATTR = 10
D_HID = 128
MID = D_FEAT * SH
AVG_NUM_NEIGHBORS = 16.0


def setup_inputs(seed: int = 0) -> dict:
    key = jax.random.key(seed)
    ks = jax.random.split(key, 12)
    inp = {
        "node_attrs": jax.random.uniform(ks[0], (N, N_ATTR), dtype=jnp.float32),
        "node_feats": jax.random.normal(ks[1], (N, D_FEAT), dtype=jnp.float32),
        "edge_attrs": jax.random.normal(ks[2], (E, SH), dtype=jnp.float32),
        "edge_feats": jax.random.uniform(ks[3], (E, NB), dtype=jnp.float32),
        "edge_index": jax.random.randint(ks[4], (2, E), 0, N, dtype=jnp.int64),
        # learned parameters
        "W_node": jax.random.normal(ks[5], (D_FEAT, D_FEAT), dtype=jnp.float32) / np.sqrt(D_FEAT),
        "Wm1": jax.random.normal(ks[6], (NB, 64), dtype=jnp.float32),
        "Wm2": jax.random.normal(ks[7], (64, 64), dtype=jnp.float32),
        "Wm3": jax.random.normal(ks[8], (64, 64), dtype=jnp.float32),
        "Wm4": jax.random.normal(ks[9], (64, MID), dtype=jnp.float32),
        "W_msg": jax.random.normal(ks[10], (MID, D_HID), dtype=jnp.float32) / np.sqrt(MID),
        "W_out": jax.random.normal(ks[11], (D_HID, N_ATTR, D_HID), dtype=jnp.float32) / np.sqrt(D_HID * N_ATTR),
    }
    return inp


def _radial_mlp(x, Ws):
    # e3nn-style FullyConnectedNet: no biases, silu on hidden layers,
    # weights normalized by sqrt(fan_in)
    for W in Ws[:-1]:
        x = jax.nn.silu(x @ (W / np.sqrt(W.shape[0])))
    return x @ (Ws[-1] / np.sqrt(Ws[-1].shape[0]))


def reference(node_attrs, node_feats, edge_attrs, edge_feats, edge_index,
              W_node, Wm1, Wm2, Wm3, Wm4, W_msg, W_out):
    sender = edge_index[0]
    receiver = edge_index[1]
    num_nodes = node_feats.shape[0]

    # radial MLP on edge (scalar) features -> per-edge TP weights
    wemb_edge = _radial_mlp(edge_feats, [Wm1, Wm2, Wm3, Wm4])  # [E, MID]

    # shared-weight linear on node features
    weighted_node_feat = node_feats @ W_node  # [N, D_FEAT]

    # gather sender node features (SparseCore gather)
    hs = weighted_node_feat[sender]  # [E, D_FEAT]

    # channel-wise tensor product with per-edge weights:
    # mji[e, c*m] = hs[e, c] * edge_attrs[e, m] * w[e, c*m]
    e = hs.shape[0]
    mji = (hs[:, :, None] * edge_attrs[:, None, :]).reshape(e, MID) * wemb_edge

    # scatter-sum to receiver nodes (SparseCore scatter-add)
    message = jax.ops.segment_sum(mji, receiver, num_segments=num_nodes)  # [N, MID]

    # linear on aggregated message, normalized by avg num neighbors
    weighted_message = (message @ W_msg) / AVG_NUM_NEIGHBORS  # [N, D_HID]

    # fully connected tensor product with node attrs (internal weights)
    output = jnp.einsum('no,na,oah->nh', weighted_message, node_attrs, W_out)  # [N, D_HID]
    return output

if __name__ == "__main__":
    import jax
    _d = setup_inputs()
    print(jax.jit(kernel)(*tuple(_d.values())))

</pallas_src>

<mosaic_0001>
#map = affine_map<(d0, d1) -> (0, 0)>
#map1 = affine_map<(d0, d1) -> (0, 0, 0)>
module attributes {stable_mosaic.version = 14 : i64} {
  func.func @k(%arg0: i32, %arg1: i32, %arg2: memref<10000x128xf32, #tpu.memory_space<hbm>>, %arg3: memref<32x20x128xi32, #tpu.memory_space<hbm>>, %arg4: memref<81920x128xf32, #tpu.memory_space<hbm>>, %arg5: memref<20x128xi32, #tpu.memory_space<vmem>>, %arg6: memref<128x128xf32, #tpu.memory_space<vmem>>, %arg7: memref<128x128xf32, #tpu.memory_space<vmem>>, %arg8: memref<128x128xf32, #tpu.memory_space<vmem>>, %arg9: memref<128x128xf32, #tpu.memory_space<vmem>>, %arg10: memref<!tpu.dma_semaphore, #tpu.memory_space<semaphore_mem>>, %arg11: memref<!tpu.dma_semaphore, #tpu.memory_space<semaphore_mem>>, %arg12: memref<!tpu.dma_semaphore, #tpu.memory_space<semaphore_mem>>, %arg13: memref<!tpu.dma_semaphore, #tpu.memory_space<semaphore_mem>>, %arg14: memref<!tpu.dma_semaphore, #tpu.memory_space<semaphore_mem>>, %arg15: memref<!tpu.dma_semaphore, #tpu.memory_space<semaphore_mem>>, %arg16: memref<!tpu.dma_semaphore, #tpu.memory_space<semaphore_mem>>, %arg17: memref<!tpu.dma_semaphore, #tpu.memory_space<semaphore_mem>>) attributes {dimension_semantics = [#tpu.dimension_semantics<core_parallel>, #tpu.dimension_semantics<subcore_parallel>], iteration_bounds = array<i64: 2, 16>, scalar_prefetch = 0 : i64, scratch_operands = 13 : i64, tpu.core_type = #tpu.core_type<sc_vector_subcore>, window_params = [{transform_indices = #map}, {transform_indices = #map1}, {transform_indices = #map}]} {
    %mul3A = arith.constant 2 : i32
    %mul3A_0 = arith.muli %arg1, %mul3A : i32
    %add3A = arith.addi %mul3A_0, %arg0 : i32
    %mul3A_1 = arith.constant 20 : i32
    %mul3A_2 = arith.muli %add3A, %mul3A_1 : i32
    "tpu.region"() ({
      %run_scoped3A = tpu.sem_alloc : memref<!tpu.dma_semaphore, #tpu.memory_space<semaphore_mem>>
      %dma_start3A = arith.constant 0 : i32
      %dma_start3A_8 = arith.constant 0 : i32
      %dma_start3A_9 = tpu.memref_slice %arg3[%add3A, %dma_start3A, %dma_start3A_8] : memref<32x20x128xi32, #tpu.memory_space<hbm>> -> memref<1x20x128xi32, #tpu.memory_space<hbm>>
      %dma_start3A_10 = tpu.memref_squeeze %dma_start3A_9 : memref<1x20x128xi32, #tpu.memory_space<hbm>> -> memref<20x128xi32, #tpu.memory_space<hbm>>
      %dma_start3A_11 = arith.constant 0 : i32
      %dma_start3A_12 = arith.constant 0 : i32
      %dma_start3A_13 = tpu.memref_slice %arg3[%add3A, %dma_start3A_11, %dma_start3A_12] : memref<32x20x128xi32, #tpu.memory_space<hbm>> -> memref<1x20x128xi32, #tpu.memory_space<hbm>>
      %dma_start3A_14 = tpu.memref_squeeze %dma_start3A_13 : memref<1x20x128xi32, #tpu.memory_space<hbm>> -> memref<20x128xi32, #tpu.memory_space<hbm>>
      tpu.enqueue_dma source(%dma_start3A_14 : memref<20x128xi32, #tpu.memory_space<hbm>>) target(%arg5 : memref<20x128xi32, #tpu.memory_space<vmem>>) target_semaphore(%run_scoped3A : memref<!tpu.dma_semaphore, #tpu.memory_space<semaphore_mem>>)
      %dma_wait3A = arith.constant 0 : i32
      %dma_wait3A_15 = arith.constant 0 : i32
      %dma_wait3A_16 = tpu.memref_slice %arg3[%add3A, %dma_wait3A, %dma_wait3A_15] : memref<32x20x128xi32, #tpu.memory_space<hbm>> -> memref<1x20x128xi32, #tpu.memory_space<hbm>>
      %dma_wait3A_17 = tpu.memref_squeeze %dma_wait3A_16 : memref<1x20x128xi32, #tpu.memory_space<hbm>> -> memref<20x128xi32, #tpu.memory_space<hbm>>
      %dma_wait3A_18 = arith.constant 0 : i32
      %dma_wait3A_19 = arith.constant 0 : i32
      %dma_wait3A_20 = tpu.memref_slice %arg3[%add3A, %dma_wait3A_18, %dma_wait3A_19] : memref<32x20x128xi32, #tpu.memory_space<hbm>> -> memref<1x20x128xi32, #tpu.memory_space<hbm>>
      %dma_wait3A_21 = tpu.memref_squeeze %dma_wait3A_20 : memref<1x20x128xi32, #tpu.memory_space<hbm>> -> memref<20x128xi32, #tpu.memory_space<hbm>>
      tpu.wait_dma2 semaphore(%run_scoped3A : memref<!tpu.dma_semaphore, #tpu.memory_space<semaphore_mem>>) src(%dma_wait3A_21 : memref<20x128xi32, #tpu.memory_space<hbm>>) dst(%arg5 : memref<20x128xi32, #tpu.memory_space<vmem>>)
      tpu.yield
    }) : () -> ()
    %scan3A = arith.constant 0 : i32
    %scan3A_3 = arith.constant 0 : i32
    %scan3A_4 = arith.constant 5 : i32
    %scan3A_5 = arith.addi %scan3A_3, %scan3A_4 : i32
    %scan3A_6 = arith.constant 1 : i32
    scf.for %scan3A_8 = %scan3A_3 to %scan3A_5 step %scan3A_6  : i32 {
      %mul3A_9 = arith.constant 4 : i32
      %mul3A_10 = arith.muli %mul3A_9, %scan3A_8 : i32
      %add3A_11 = arith.constant 0 : i32
      %add3A_12 = arith.addi %mul3A_10, %add3A_11 : i32
      %dma_start3A = arith.constant 0 : i32
      %dma_start3A_13 = tpu.memref_slice %arg5[%add3A_12, %dma_start3A] : memref<20x128xi32, #tpu.memory_space<vmem>> -> memref<1x128xi32, #tpu.memory_space<vmem>>
      %dma_start3A_14 = tpu.memref_squeeze %dma_start3A_13 : memref<1x128xi32, #tpu.memory_space<vmem>> -> memref<128xi32, #tpu.memory_space<vmem>>
      %dma_start3A_15 = arith.constant 0 : i32
      %dma_start3A_16 = arith.constant 0 : i32
      %dma_start3A_17 = tpu.memref_slice %arg2[%dma_start3A_15, %dma_start3A_16] : memref<10000x128xf32, #tpu.memory_space<hbm>> -> memref<10000x128xf32, #tpu.memory_space<hbm>>
      tpu.enqueue_indirect_dma source(%dma_start3A_17 : memref<10000x128xf32, #tpu.memory_space<hbm>>) target(%arg6 : memref<128x128xf32, #tpu.memory_space<vmem>>) offsets(%dma_start3A_14 : memref<128xi32, #tpu.memory_space<vmem>>) semaphore(%arg10 : memref<!tpu.dma_semaphore, #tpu.memory_space<semaphore_mem>>)
      %add3A_18 = arith.constant 1 : i32
      %add3A_19 = arith.addi %mul3A_10, %add3A_18 : i32
      %dma_start3A_20 = arith.constant 0 : i32
      %dma_start3A_21 = tpu.memref_slice %arg5[%add3A_19, %dma_start3A_20] : memref<20x128xi32, #tpu.memory_space<vmem>> -> memref<1x128xi32, #tpu.memory_space<vmem>>
      %dma_start3A_22 = tpu.memref_squeeze %dma_start3A_21 : memref<1x128xi32, #tpu.memory_space<vmem>> -> memref<128xi32, #tpu.memory_space<vmem>>
      %dma_start3A_23 = arith.constant 0 : i32
      %dma_start3A_24 = arith.constant 0 : i32
      %dma_start3A_25 = tpu.memref_slice %arg2[%dma_start3A_23, %dma_start3A_24] : memref<10000x128xf32, #tpu.memory_space<hbm>> -> memref<10000x128xf32, #tpu.memory_space<hbm>>
      tpu.enqueue_indirect_dma source(%dma_start3A_25 : memref<10000x128xf32, #tpu.memory_space<hbm>>) target(%arg7 : memref<128x128xf32, #tpu.memory_space<vmem>>) offsets(%dma_start3A_22 : memref<128xi32, #tpu.memory_space<vmem>>) semaphore(%arg11 : memref<!tpu.dma_semaphore, #tpu.memory_space<semaphore_mem>>)
      %add3A_26 = arith.constant 2 : i32
      %add3A_27 = arith.addi %mul3A_10, %add3A_26 : i32
      %dma_start3A_28 = arith.constant 0 : i32
      %dma_start3A_29 = tpu.memref_slice %arg5[%add3A_27, %dma_start3A_28] : memref<20x128xi32, #tpu.memory_space<vmem>> -> memref<1x128xi32, #tpu.memory_space<vmem>>
      %dma_start3A_30 = tpu.memref_squeeze %dma_start3A_29 : memref<1x128xi32, #tpu.memory_space<vmem>> -> memref<128xi32, #tpu.memory_space<vmem>>
      %dma_start3A_31 = arith.constant 0 : i32
      %dma_start3A_32 = arith.constant 0 : i32
      %dma_start3A_33 = tpu.memref_slice %arg2[%dma_start3A_31, %dma_start3A_32] : memref<10000x128xf32, #tpu.memory_space<hbm>> -> memref<10000x128xf32, #tpu.memory_space<hbm>>
      tpu.enqueue_indirect_dma source(%dma_start3A_33 : memref<10000x128xf32, #tpu.memory_space<hbm>>) target(%arg8 : memref<128x128xf32, #tpu.memory_space<vmem>>) offsets(%dma_start3A_30 : memref<128xi32, #tpu.memory_space<vmem>>) semaphore(%arg12 : memref<!tpu.dma_semaphore, #tpu.memory_space<semaphore_mem>>)
      %add3A_34 = arith.constant 3 : i32
      %add3A_35 = arith.addi %mul3A_10, %add3A_34 : i32
      %dma_start3A_36 = arith.constant 0 : i32
      %dma_start3A_37 = tpu.memref_slice %arg5[%add3A_35, %dma_start3A_36] : memref<20x128xi32, #tpu.memory_space<vmem>> -> memref<1x128xi32, #tpu.memory_space<vmem>>
      %dma_start3A_38 = tpu.memref_squeeze %dma_start3A_37 : memref<1x128xi32, #tpu.memory_space<vmem>> -> memref<128xi32, #tpu.memory_space<vmem>>
      %dma_start3A_39 = arith.constant 0 : i32
      %dma_start3A_40 = arith.constant 0 : i32
      %dma_start3A_41 = tpu.memref_slice %arg2[%dma_start3A_39, %dma_start3A_40] : memref<10000x128xf32, #tpu.memory_space<hbm>> -> memref<10000x128xf32, #tpu.memory_space<hbm>>
      tpu.enqueue_indirect_dma source(%dma_start3A_41 : memref<10000x128xf32, #tpu.memory_space<hbm>>) target(%arg9 : memref<128x128xf32, #tpu.memory_space<vmem>>) offsets(%dma_start3A_38 : memref<128xi32, #tpu.memory_space<vmem>>) semaphore(%arg13 : memref<!tpu.dma_semaphore, #tpu.memory_space<semaphore_mem>>)
      %dma_wait3A = arith.constant 0 : i32
      %dma_wait3A_42 = tpu.memref_slice %arg5[%add3A_12, %dma_wait3A] : memref<20x128xi32, #tpu.memory_space<vmem>> -> memref<1x128xi32, #tpu.memory_space<vmem>>
      %dma_wait3A_43 = tpu.memref_squeeze %dma_wait3A_42 : memref<1x128xi32, #tpu.memory_space<vmem>> -> memref<128xi32, #tpu.memory_space<vmem>>
      %dma_wait3A_44 = arith.constant 0 : i32
      %dma_wait3A_45 = arith.constant 0 : i32
      %dma_wait3A_46 = tpu.memref_slice %arg2[%dma_wait3A_44, %dma_wait3A_45] : memref<10000x128xf32, #tpu.memory_space<hbm>> -> memref<10000x128xf32, #tpu.memory_space<hbm>>
      tpu.wait_indirect_dma semaphore(%arg10 : memref<!tpu.dma_semaphore, #tpu.memory_space<semaphore_mem>>) src(%dma_wait3A_46 : memref<10000x128xf32, #tpu.memory_space<hbm>>) dst(%arg6 : memref<128x128xf32, #tpu.memory_space<vmem>>)
      %add3A_47 = arith.addi %mul3A_2, %mul3A_10 : i32
      %add3A_48 = arith.constant 0 : i32
      %add3A_49 = arith.addi %add3A_47, %add3A_48 : i32
      %mul3A_50 = arith.constant 128 : i32
      %mul3A_51 = arith.muli %add3A_49, %mul3A_50 : i32
      %dma_start3A_52 = arith.constant 0 : i32
      %dma_start3A_53 = tpu.memref_slice %arg4[%mul3A_51, %dma_start3A_52] : memref<81920x128xf32, #tpu.memory_space<hbm>> -> memref<128x128xf32, #tpu.memory_space<hbm>>
      %dma_start3A_54 = arith.constant 0 : i32
      %dma_start3A_55 = tpu.memref_slice %arg4[%mul3A_51, %dma_start3A_54] : memref<81920x128xf32, #tpu.memory_space<hbm>> -> memref<128x128xf32, #tpu.memory_space<hbm>>
      tpu.enqueue_dma source(%arg6 : memref<128x128xf32, #tpu.memory_space<vmem>>) target(%dma_start3A_55 : memref<128x128xf32, #tpu.memory_space<hbm>>) target_semaphore(%arg14 : memref<!tpu.dma_semaphore, #tpu.memory_space<semaphore_mem>>)
      %dma_wait3A_56 = arith.constant 0 : i32
      %dma_wait3A_57 = tpu.memref_slice %arg5[%add3A_19, %dma_wait3A_56] : memref<20x128xi32, #tpu.memory_space<vmem>> -> memref<1x128xi32, #tpu.memory_space<vmem>>
      %dma_wait3A_58 = tpu.memref_squeeze %dma_wait3A_57 : memref<1x128xi32, #tpu.memory_space<vmem>> -> memref<128xi32, #tpu.memory_space<vmem>>
      %dma_wait3A_59 = arith.constant 0 : i32
      %dma_wait3A_60 = arith.constant 0 : i32
      %dma_wait3A_61 = tpu.memref_slice %arg2[%dma_wait3A_59, %dma_wait3A_60] : memref<10000x128xf32, #tpu.memory_space<hbm>> -> memref<10000x128xf32, #tpu.memory_space<hbm>>
      tpu.wait_indirect_dma semaphore(%arg11 : memref<!tpu.dma_semaphore, #tpu.memory_space<semaphore_mem>>) src(%dma_wait3A_61 : memref<10000x128xf32, #tpu.memory_space<hbm>>) dst(%arg7 : memref<128x128xf32, #tpu.memory_space<vmem>>)
      %add3A_62 = arith.addi %mul3A_2, %mul3A_10 : i32
      %add3A_63 = arith.constant 1 : i32
      %add3A_64 = arith.addi %add3A_62, %add3A_63 : i32
      %mul3A_65 = arith.constant 128 : i32
      %mul3A_66 = arith.muli %add3A_64, %mul3A_65 : i32
      %dma_start3A_67 = arith.constant 0 : i32
      %dma_start3A_68 = tpu.memref_slice %arg4[%mul3A_66, %dma_start3A_67] : memref<81920x128xf32, #tpu.memory_space<hbm>> -> memref<128x128xf32, #tpu.memory_space<hbm>>
      %dma_start3A_69 = arith.constant 0 : i32
      %dma_start3A_70 = tpu.memref_slice %arg4[%mul3A_66, %dma_start3A_69] : memref<81920x128xf32, #tpu.memory_space<hbm>> -> memref<128x128xf32, #tpu.memory_space<hbm>>
      tpu.enqueue_dma source(%arg7 : memref<128x128xf32, #tpu.memory_space<vmem>>) target(%dma_start3A_70 : memref<128x128xf32, #tpu.memory_space<hbm>>) target_semaphore(%arg15 : memref<!tpu.dma_semaphore, #tpu.memory_space<semaphore_mem>>)
      %dma_wait3A_71 = arith.constant 0 : i32
      %dma_wait3A_72 = tpu.memref_slice %arg5[%add3A_27, %dma_wait3A_71] : memref<20x128xi32, #tpu.memory_space<vmem>> -> memref<1x128xi32, #tpu.memory_space<vmem>>
      %dma_wait3A_73 = tpu.memref_squeeze %dma_wait3A_72 : memref<1x128xi32, #tpu.memory_space<vmem>> -> memref<128xi32, #tpu.memory_space<vmem>>
      %dma_wait3A_74 = arith.constant 0 : i32
      %dma_wait3A_75 = arith.constant 0 : i32
      %dma_wait3A_76 = tpu.memref_slice %arg2[%dma_wait3A_74, %dma_wait3A_75] : memref<10000x128xf32, #tpu.memory_space<hbm>> -> memref<10000x128xf32, #tpu.memory_space<hbm>>
      tpu.wait_indirect_dma semaphore(%arg12 : memref<!tpu.dma_semaphore, #tpu.memory_space<semaphore_mem>>) src(%dma_wait3A_76 : memref<10000x128xf32, #tpu.memory_space<hbm>>) dst(%arg8 : memref<128x128xf32, #tpu.memory_space<vmem>>)
      %add3A_77 = arith.addi %mul3A_2, %mul3A_10 : i32
      %add3A_78 = arith.constant 2 : i32
      %add3A_79 = arith.addi %add3A_77, %add3A_78 : i32
      %mul3A_80 = arith.constant 128 : i32
      %mul3A_81 = arith.muli %add3A_79, %mul3A_80 : i32
      %dma_start3A_82 = arith.constant 0 : i32
      %dma_start3A_83 = tpu.memref_slice %arg4[%mul3A_81, %dma_start3A_82] : memref<81920x128xf32, #tpu.memory_space<hbm>> -> memref<128x128xf32, #tpu.memory_space<hbm>>
      %dma_start3A_84 = arith.constant 0 : i32
      %dma_start3A_85 = tpu.memref_slice %arg4[%mul3A_81, %dma_start3A_84] : memref<81920x128xf32, #tpu.memory_space<hbm>> -> memref<128x128xf32, #tpu.memory_space<hbm>>
      tpu.enqueue_dma source(%arg8 : memref<128x128xf32, #tpu.memory_space<vmem>>) target(%dma_start3A_85 : memref<128x128xf32, #tpu.memory_space<hbm>>) target_semaphore(%arg16 : memref<!tpu.dma_semaphore, #tpu.memory_space<semaphore_mem>>)
      %dma_wait3A_86 = arith.constant 0 : i32
      %dma_wait3A_87 = tpu.memref_slice %arg5[%add3A_35, %dma_wait3A_86] : memref<20x128xi32, #tpu.memory_space<vmem>> -> memref<1x128xi32, #tpu.memory_space<vmem>>
      %dma_wait3A_88 = tpu.memref_squeeze %dma_wait3A_87 : memref<1x128xi32, #tpu.memory_space<vmem>> -> memref<128xi32, #tpu.memory_space<vmem>>
      %dma_wait3A_89 = arith.constant 0 : i32
      %dma_wait3A_90 = arith.constant 0 : i32
      %dma_wait3A_91 = tpu.memref_slice %arg2[%dma_wait3A_89, %dma_wait3A_90] : memref<10000x128xf32, #tpu.memory_space<hbm>> -> memref<10000x128xf32, #tpu.memory_space<hbm>>
      tpu.wait_indirect_dma semaphore(%arg13 : memref<!tpu.dma_semaphore, #tpu.memory_space<semaphore_mem>>) src(%dma_wait3A_91 : memref<10000x128xf32, #tpu.memory_space<hbm>>) dst(%arg9 : memref<128x128xf32, #tpu.memory_space<vmem>>)
      %add3A_92 = arith.addi %mul3A_2, %mul3A_10 : i32
      %add3A_93 = arith.constant 3 : i32
      %add3A_94 = arith.addi %add3A_92, %add3A_93 : i32
      %mul3A_95 = arith.constant 128 : i32
      %mul3A_96 = arith.muli %add3A_94, %mul3A_95 : i32
      %dma_start3A_97 = arith.constant 0 : i32
      %dma_start3A_98 = tpu.memref_slice %arg4[%mul3A_96, %dma_start3A_97] : memref<81920x128xf32, #tpu.memory_space<hbm>> -> memref<128x128xf32, #tpu.memory_space<hbm>>
      %dma_start3A_99 = arith.constant 0 : i32
      %dma_start3A_100 = tpu.memref_slice %arg4[%mul3A_96, %dma_start3A_99] : memref<81920x128xf32, #tpu.memory_space<hbm>> -> memref<128x128xf32, #tpu.memory_space<hbm>>
      tpu.enqueue_dma source(%arg9 : memref<128x128xf32, #tpu.memory_space<vmem>>) target(%dma_start3A_100 : memref<128x128xf32, #tpu.memory_space<hbm>>) target_semaphore(%arg17 : memref<!tpu.dma_semaphore, #tpu.memory_space<semaphore_mem>>)
      %dma_wait3A_101 = arith.constant 0 : i32
      %dma_wait3A_102 = tpu.memref_slice %arg4[%mul3A_51, %dma_wait3A_101] : memref<81920x128xf32, #tpu.memory_space<hbm>> -> memref<128x128xf32, #tpu.memory_space<hbm>>
      %dma_wait3A_103 = arith.constant 0 : i32
      %dma_wait3A_104 = tpu.memref_slice %arg4[%mul3A_51, %dma_wait3A_103] : memref<81920x128xf32, #tpu.memory_space<hbm>> -> memref<128x128xf32, #tpu.memory_space<hbm>>
      tpu.wait_dma2 semaphore(%arg14 : memref<!tpu.dma_semaphore, #tpu.memory_space<semaphore_mem>>) src(%arg6 : memref<128x128xf32, #tpu.memory_space<vmem>>) dst(%dma_wait3A_104 : memref<128x128xf32, #tpu.memory_space<hbm>>)
      %dma_wait3A_105 = arith.constant 0 : i32
      %dma_wait3A_106 = tpu.memref_slice %arg4[%mul3A_66, %dma_wait3A_105] : memref<81920x128xf32, #tpu.memory_space<hbm>> -> memref<128x128xf32, #tpu.memory_space<hbm>>
      %dma_wait3A_107 = arith.constant 0 : i32
      %dma_wait3A_108 = tpu.memref_slice %arg4[%mul3A_66, %dma_wait3A_107] : memref<81920x128xf32, #tpu.memory_space<hbm>> -> memref<128x128xf32, #tpu.memory_space<hbm>>
      tpu.wait_dma2 semaphore(%arg15 : memref<!tpu.dma_semaphore, #tpu.memory_space<semaphore_mem>>) src(%arg7 : memref<128x128xf32, #tpu.memory_space<vmem>>) dst(%dma_wait3A_108 : memref<128x128xf32, #tpu.memory_space<hbm>>)
      %dma_wait3A_109 = arith.constant 0 : i32
      %dma_wait3A_110 = tpu.memref_slice %arg4[%mul3A_81, %dma_wait3A_109] : memref<81920x128xf32, #tpu.memory_space<hbm>> -> memref<128x128xf32, #tpu.memory_space<hbm>>
      %dma_wait3A_111 = arith.constant 0 : i32
      %dma_wait3A_112 = tpu.memref_slice %arg4[%mul3A_81, %dma_wait3A_111] : memref<81920x128xf32, #tpu.memory_space<hbm>> -> memref<128x128xf32, #tpu.memory_space<hbm>>
      tpu.wait_dma2 semaphore(%arg16 : memref<!tpu.dma_semaphore, #tpu.memory_space<semaphore_mem>>) src(%arg8 : memref<128x128xf32, #tpu.memory_space<vmem>>) dst(%dma_wait3A_112 : memref<128x128xf32, #tpu.memory_space<hbm>>)
      %dma_wait3A_113 = arith.constant 0 : i32
      %dma_wait3A_114 = tpu.memref_slice %arg4[%mul3A_96, %dma_wait3A_113] : memref<81920x128xf32, #tpu.memory_space<hbm>> -> memref<128x128xf32, #tpu.memory_space<hbm>>
      %dma_wait3A_115 = arith.constant 0 : i32
      %dma_wait3A_116 = tpu.memref_slice %arg4[%mul3A_96, %dma_wait3A_115] : memref<81920x128xf32, #tpu.memory_space<hbm>> -> memref<128x128xf32, #tpu.memory_space<hbm>>
      tpu.wait_dma2 semaphore(%arg17 : memref<!tpu.dma_semaphore, #tpu.memory_space<semaphore_mem>>) src(%arg9 : memref<128x128xf32, #tpu.memory_space<vmem>>) dst(%dma_wait3A_116 : memref<128x128xf32, #tpu.memory_space<hbm>>)
    }
    %scan3A_7 = arith.constant 5 : i32
    return
  }
}

#map = affine_map<(d0, d1) -> (0, 0)>
#map1 = affine_map<(d0, d1) -> (0, 0, 0)>
module attributes {stable_mosaic.version = 14 : i64} {
  func.func @k(%arg0: i32, %arg1: i32, %arg2: memref<81920x128xf32, #tpu.memory_space<hbm>>, %arg3: memref<32x20x128xi32, #tpu.memory_space<hbm>>, %arg4: memref<2x10240x128xf32, #tpu.memory_space<hbm>>, %arg5: memref<2x10240x128xf32, #tpu.memory_space<hbm>>, %arg6: memref<20x128xi32, #tpu.memory_space<vmem>>, %arg7: memref<128x128xf32, #tpu.memory_space<vmem>>, %arg8: memref<128x128xf32, #tpu.memory_space<vmem>>, %arg9: memref<10240x128xf32, #tpu.memory_space<vmem_shared>>, %arg10: memref<!tpu.dma_semaphore, #tpu.memory_space<semaphore_mem>>, %arg11: memref<!tpu.dma_semaphore, #tpu.memory_space<semaphore_mem>>, %arg12: memref<!tpu.dma_semaphore, #tpu.memory_space<semaphore_mem>>) attributes {dimension_semantics = [#tpu.dimension_semantics<core_parallel>, #tpu.dimension_semantics<subcore_parallel>], iteration_bounds = array<i64: 2, 16>, scalar_prefetch = 0 : i64, scratch_operands = 7 : i64, tpu.core_type = #tpu.core_type<sc_vector_subcore>, window_params = [{transform_indices = #map}, {transform_indices = #map1}, {transform_indices = #map1}, {transform_indices = #map1}]} {
    %mul3A = arith.constant 2 : i32
    %mul3A_0 = arith.muli %arg1, %mul3A : i32
    %add3A = arith.addi %mul3A_0, %arg0 : i32
    %mul3A_1 = arith.constant 640 : i32
    %mul3A_2 = arith.muli %arg1, %mul3A_1 : i32
    "tpu.region"() ({
      %run_scoped3A = tpu.sem_alloc : memref<!tpu.dma_semaphore, #tpu.memory_space<semaphore_mem>>
      %dma_start3A = arith.constant 0 : i32
      %dma_start3A_11 = tpu.memref_slice %arg9[%mul3A_2, %dma_start3A] : memref<10240x128xf32, #tpu.memory_space<vmem_shared>> -> memref<640x128xf32, #tpu.memory_space<vmem_shared>>
      %dma_start3A_12 = arith.constant 0 : i32
      %dma_start3A_13 = tpu.memref_slice %arg4[%arg0, %mul3A_2, %dma_start3A_12] : memref<2x10240x128xf32, #tpu.memory_space<hbm>> -> memref<1x640x128xf32, #tpu.memory_space<hbm>>
      %dma_start3A_14 = tpu.memref_squeeze %dma_start3A_13 : memref<1x640x128xf32, #tpu.memory_space<hbm>> -> memref<640x128xf32, #tpu.memory_space<hbm>>
      tpu.enqueue_dma source(%dma_start3A_14 : memref<640x128xf32, #tpu.memory_space<hbm>>) target(%dma_start3A_11 : memref<640x128xf32, #tpu.memory_space<vmem_shared>>) target_semaphore(%run_scoped3A : memref<!tpu.dma_semaphore, #tpu.memory_space<semaphore_mem>>)
      %dma_wait3A = arith.constant 0 : i32
      %dma_wait3A_15 = tpu.memref_slice %arg9[%mul3A_2, %dma_wait3A] : memref<10240x128xf32, #tpu.memory_space<vmem_shared>> -> memref<640x128xf32, #tpu.memory_space<vmem_shared>>
      %dma_wait3A_16 = arith.constant 0 : i32
      %dma_wait3A_17 = tpu.memref_slice %arg4[%arg0, %mul3A_2, %dma_wait3A_16] : memref<2x10240x128xf32, #tpu.memory_space<hbm>> -> memref<1x640x128xf32, #tpu.memory_space<hbm>>
      %dma_wait3A_18 = tpu.memref_squeeze %dma_wait3A_17 : memref<1x640x128xf32, #tpu.memory_space<hbm>> -> memref<640x128xf32, #tpu.memory_space<hbm>>
      tpu.wait_dma2 semaphore(%run_scoped3A : memref<!tpu.dma_semaphore, #tpu.memory_space<semaphore_mem>>) src(%dma_wait3A_18 : memref<640x128xf32, #tpu.memory_space<hbm>>) dst(%dma_wait3A_15 : memref<640x128xf32, #tpu.memory_space<vmem_shared>>)
      tpu.yield
    }) : () -> ()
    %barrier3A = arith.constant 0 : index
    tpu.barrier barrier_id(%barrier3A)
    %mul3A_3 = arith.constant 20 : i32
    %mul3A_4 = arith.muli %add3A, %mul3A_3 : i32
    "tpu.region"() ({
      %run_scoped3A = tpu.sem_alloc : memref<!tpu.dma_semaphore, #tpu.memory_space<semaphore_mem>>
      %dma_start3A = arith.constant 0 : i32
      %dma_start3A_11 = arith.constant 0 : i32
      %dma_start3A_12 = tpu.memref_slice %arg3[%add3A, %dma_start3A, %dma_start3A_11] : memref<32x20x128xi32, #tpu.memory_space<hbm>> -> memref<1x20x128xi32, #tpu.memory_space<hbm>>
      %dma_start3A_13 = tpu.memref_squeeze %dma_start3A_12 : memref<1x20x128xi32, #tpu.memory_space<hbm>> -> memref<20x128xi32, #tpu.memory_space<hbm>>
      %dma_start3A_14 = arith.constant 0 : i32
      %dma_start3A_15 = arith.constant 0 : i32
      %dma_start3A_16 = tpu.memref_slice %arg3[%add3A, %dma_start3A_14, %dma_start3A_15] : memref<32x20x128xi32, #tpu.memory_space<hbm>> -> memref<1x20x128xi32, #tpu.memory_space<hbm>>
      %dma_start3A_17 = tpu.memref_squeeze %dma_start3A_16 : memref<1x20x128xi32, #tpu.memory_space<hbm>> -> memref<20x128xi32, #tpu.memory_space<hbm>>
      tpu.enqueue_dma source(%dma_start3A_17 : memref<20x128xi32, #tpu.memory_space<hbm>>) target(%arg6 : memref<20x128xi32, #tpu.memory_space<vmem>>) target_semaphore(%run_scoped3A : memref<!tpu.dma_semaphore, #tpu.memory_space<semaphore_mem>>)
      %dma_wait3A = arith.constant 0 : i32
      %dma_wait3A_18 = arith.constant 0 : i32
      %dma_wait3A_19 = tpu.memref_slice %arg3[%add3A, %dma_wait3A, %dma_wait3A_18] : memref<32x20x128xi32, #tpu.memory_space<hbm>> -> memref<1x20x128xi32, #tpu.memory_space<hbm>>
      %dma_wait3A_20 = tpu.memref_squeeze %dma_wait3A_19 : memref<1x20x128xi32, #tpu.memory_space<hbm>> -> memref<20x128xi32, #tpu.memory_space<hbm>>
      %dma_wait3A_21 = arith.constant 0 : i32
      %dma_wait3A_22 = arith.constant 0 : i32
      %dma_wait3A_23 = tpu.memref_slice %arg3[%add3A, %dma_wait3A_21, %dma_wait3A_22] : memref<32x20x128xi32, #tpu.memory_space<hbm>> -> memref<1x20x128xi32, #tpu.memory_space<hbm>>
      %dma_wait3A_24 = tpu.memref_squeeze %dma_wait3A_23 : memref<1x20x128xi32, #tpu.memory_space<hbm>> -> memref<20x128xi32, #tpu.memory_space<hbm>>
      tpu.wait_dma2 semaphore(%run_scoped3A : memref<!tpu.dma_semaphore, #tpu.memory_space<semaphore_mem>>) src(%dma_wait3A_24 : memref<20x128xi32, #tpu.memory_space<hbm>>) dst(%arg6 : memref<20x128xi32, #tpu.memory_space<vmem>>)
      tpu.yield
    }) : () -> ()
    %scan3A = arith.constant 0 : i32
    %scan3A_5 = arith.constant 0 : i32
    %scan3A_6 = arith.constant 10 : i32
    %scan3A_7 = arith.addi %scan3A_5, %scan3A_6 : i32
    %scan3A_8 = arith.constant 1 : i32
    scf.for %scan3A_11 = %scan3A_5 to %scan3A_7 step %scan3A_8  : i32 {
      %mul3A_12 = arith.constant 2 : i32
      %mul3A_13 = arith.muli %mul3A_12, %scan3A_11 : i32
      %add3A_14 = arith.addi %mul3A_4, %mul3A_13 : i32
      %add3A_15 = arith.constant 0 : i32
      %add3A_16 = arith.addi %add3A_14, %add3A_15 : i32
      %mul3A_17 = arith.constant 128 : i32
      %mul3A_18 = arith.muli %add3A_16, %mul3A_17 : i32
      %dma_start3A = arith.constant 0 : i32
      %dma_start3A_19 = tpu.memref_slice %arg2[%mul3A_18, %dma_start3A] : memref<81920x128xf32, #tpu.memory_space<hbm>> -> memref<128x128xf32, #tpu.memory_space<hbm>>
      %dma_start3A_20 = arith.constant 0 : i32
      %dma_start3A_21 = tpu.memref_slice %arg2[%mul3A_18, %dma_start3A_20] : memref<81920x128xf32, #tpu.memory_space<hbm>> -> memref<128x128xf32, #tpu.memory_space<hbm>>
      tpu.enqueue_dma source(%dma_start3A_21 : memref<128x128xf32, #tpu.memory_space<hbm>>) target(%arg7 : memref<128x128xf32, #tpu.memory_space<vmem>>) target_semaphore(%arg10 : memref<!tpu.dma_semaphore, #tpu.memory_space<semaphore_mem>>)
      %add3A_22 = arith.addi %mul3A_4, %mul3A_13 : i32
      %add3A_23 = arith.constant 1 : i32
      %add3A_24 = arith.addi %add3A_22, %add3A_23 : i32
      %mul3A_25 = arith.constant 128 : i32
      %mul3A_26 = arith.muli %add3A_24, %mul3A_25 : i32
      %dma_start3A_27 = arith.constant 0 : i32
      %dma_start3A_28 = tpu.memref_slice %arg2[%mul3A_26, %dma_start3A_27] : memref<81920x128xf32, #tpu.memory_space<hbm>> -> memref<128x128xf32, #tpu.memory_space<hbm>>
      %dma_start3A_29 = arith.constant 0 : i32
      %dma_start3A_30 = tpu.memref_slice %arg2[%mul3A_26, %dma_start3A_29] : memref<81920x128xf32, #tpu.memory_space<hbm>> -> memref<128x128xf32, #tpu.memory_space<hbm>>
      tpu.enqueue_dma source(%dma_start3A_30 : memref<128x128xf32, #tpu.memory_space<hbm>>) target(%arg8 : memref<128x128xf32, #tpu.memory_space<vmem>>) target_semaphore(%arg11 : memref<!tpu.dma_semaphore, #tpu.memory_space<semaphore_mem>>)
      %dma_wait3A = arith.constant 0 : i32
      %dma_wait3A_31 = tpu.memref_slice %arg2[%mul3A_18, %dma_wait3A] : memref<81920x128xf32, #tpu.memory_space<hbm>> -> memref<128x128xf32, #tpu.memory_space<hbm>>
      %dma_wait3A_32 = arith.constant 0 : i32
      %dma_wait3A_33 = tpu.memref_slice %arg2[%mul3A_18, %dma_wait3A_32] : memref<81920x128xf32, #tpu.memory_space<hbm>> -> memref<128x128xf32, #tpu.memory_space<hbm>>
      tpu.wait_dma2 semaphore(%arg10 : memref<!tpu.dma_semaphore, #tpu.memory_space<semaphore_mem>>) src(%dma_wait3A_33 : memref<128x128xf32, #tpu.memory_space<hbm>>) dst(%arg7 : memref<128x128xf32, #tpu.memory_space<vmem>>)
      %add3A_34 = arith.constant 0 : i32
      %add3A_35 = arith.addi %mul3A_13, %add3A_34 : i32
      %dma_start3A_36 = arith.constant 0 : i32
      %dma_start3A_37 = tpu.memref_slice %arg6[%add3A_35, %dma_start3A_36] : memref<20x128xi32, #tpu.memory_space<vmem>> -> memref<1x128xi32, #tpu.memory_space<vmem>>
      %dma_start3A_38 = tpu.memref_squeeze %dma_start3A_37 : memref<1x128xi32, #tpu.memory_space<vmem>> -> memref<128xi32, #tpu.memory_space<vmem>>
      %dma_start3A_39 = arith.constant 0 : i32
      %dma_start3A_40 = arith.constant 0 : i32
      %dma_start3A_41 = tpu.memref_slice %arg9[%dma_start3A_39, %dma_start3A_40] : memref<10240x128xf32, #tpu.memory_space<vmem_shared>> -> memref<10240x128xf32, #tpu.memory_space<vmem_shared>>
      tpu.enqueue_indirect_dma source(%arg7 : memref<128x128xf32, #tpu.memory_space<vmem>>) target(%dma_start3A_41 : memref<10240x128xf32, #tpu.memory_space<vmem_shared>>) offsets(%dma_start3A_38 : memref<128xi32, #tpu.memory_space<vmem>>) semaphore(%arg12 : memref<!tpu.dma_semaphore, #tpu.memory_space<semaphore_mem>>) {add = true}
      %dma_wait3A_42 = arith.constant 0 : i32
      %dma_wait3A_43 = tpu.memref_slice %arg6[%add3A_35, %dma_wait3A_42] : memref<20x128xi32, #tpu.memory_space<vmem>> -> memref<1x128xi32, #tpu.memory_space<vmem>>
      %dma_wait3A_44 = tpu.memref_squeeze %dma_wait3A_43 : memref<1x128xi32, #tpu.memory_space<vmem>> -> memref<128xi32, #tpu.memory_space<vmem>>
      %dma_wait3A_45 = arith.constant 0 : i32
      %dma_wait3A_46 = arith.constant 0 : i32
      %dma_wait3A_47 = tpu.memref_slice %arg9[%dma_wait3A_45, %dma_wait3A_46] : memref<10240x128xf32, #tpu.memory_space<vmem_shared>> -> memref<10240x128xf32, #tpu.memory_space<vmem_shared>>
      tpu.wait_indirect_dma semaphore(%arg12 : memref<!tpu.dma_semaphore, #tpu.memory_space<semaphore_mem>>) src(%arg7 : memref<128x128xf32, #tpu.memory_space<vmem>>) dst(%dma_wait3A_47 : memref<10240x128xf32, #tpu.memory_space<vmem_shared>>)
      %dma_wait3A_48 = arith.constant 0 : i32
      %dma_wait3A_49 = tpu.memref_slice %arg2[%mul3A_26, %dma_wait3A_48] : memref<81920x128xf32, #tpu.memory_space<hbm>> -> memref<128x128xf32, #tpu.memory_space<hbm>>
      %dma_wait3A_50 = arith.constant 0 : i32
      %dma_wait3A_51 = tpu.memref_slice %arg2[%mul3A_26, %dma_wait3A_50] : memref<81920x128xf32, #tpu.memory_space<hbm>> -> memref<128x128xf32, #tpu.memory_space<hbm>>
      tpu.wait_dma2 semaphore(%arg11 : memref<!tpu.dma_semaphore, #tpu.memory_space<semaphore_mem>>) src(%dma_wait3A_51 : memref<128x128xf32, #tpu.memory_space<hbm>>) dst(%arg8 : memref<128x128xf32, #tpu.memory_space<vmem>>)
      %add3A_52 = arith.constant 1 : i32
      %add3A_53 = arith.addi %mul3A_13, %add3A_52 : i32
      %dma_start3A_54 = arith.constant 0 : i32
      %dma_start3A_55 = tpu.memref_slice %arg6[%add3A_53, %dma_start3A_54] : memref<20x128xi32, #tpu.memory_space<vmem>> -> memref<1x128xi32, #tpu.memory_space<vmem>>
      %dma_start3A_56 = tpu.memref_squeeze %dma_start3A_55 : memref<1x128xi32, #tpu.memory_space<vmem>> -> memref<128xi32, #tpu.memory_space<vmem>>
      %dma_start3A_57 = arith.constant 0 : i32
      %dma_start3A_58 = arith.constant 0 : i32
      %dma_start3A_59 = tpu.memref_slice %arg9[%dma_start3A_57, %dma_start3A_58] : memref<10240x128xf32, #tpu.memory_space<vmem_shared>> -> memref<10240x128xf32, #tpu.memory_space<vmem_shared>>
      tpu.enqueue_indirect_dma source(%arg8 : memref<128x128xf32, #tpu.memory_space<vmem>>) target(%dma_start3A_59 : memref<10240x128xf32, #tpu.memory_space<vmem_shared>>) offsets(%dma_start3A_56 : memref<128xi32, #tpu.memory_space<vmem>>) semaphore(%arg12 : memref<!tpu.dma_semaphore, #tpu.memory_space<semaphore_mem>>) {add = true}
      %dma_wait3A_60 = arith.constant 0 : i32
      %dma_wait3A_61 = tpu.memref_slice %arg6[%add3A_53, %dma_wait3A_60] : memref<20x128xi32, #tpu.memory_space<vmem>> -> memref<1x128xi32, #tpu.memory_space<vmem>>
      %dma_wait3A_62 = tpu.memref_squeeze %dma_wait3A_61 : memref<1x128xi32, #tpu.memory_space<vmem>> -> memref<128xi32, #tpu.memory_space<vmem>>
      %dma_wait3A_63 = arith.constant 0 : i32
      %dma_wait3A_64 = arith.constant 0 : i32
      %dma_wait3A_65 = tpu.memref_slice %arg9[%dma_wait3A_63, %dma_wait3A_64] : memref<10240x128xf32, #tpu.memory_space<vmem_shared>> -> memref<10240x128xf32, #tpu.memory_space<vmem_shared>>
      tpu.wait_indirect_dma semaphore(%arg12 : memref<!tpu.dma_semaphore, #tpu.memory_space<semaphore_mem>>) src(%arg8 : memref<128x128xf32, #tpu.memory_space<vmem>>) dst(%dma_wait3A_65 : memref<10240x128xf32, #tpu.memory_space<vmem_shared>>)
    }
    %scan3A_9 = arith.constant 10 : i32
    %barrier3A_10 = arith.constant 0 : index
    tpu.barrier barrier_id(%barrier3A_10)
    "tpu.region"() ({
      %run_scoped3A = tpu.sem_alloc : memref<!tpu.dma_semaphore, #tpu.memory_space<semaphore_mem>>
      %dma_start3A = arith.constant 0 : i32
      %dma_start3A_11 = tpu.memref_slice %arg5[%arg0, %mul3A_2, %dma_start3A] : memref<2x10240x128xf32, #tpu.memory_space<hbm>> -> memref<1x640x128xf32, #tpu.memory_space<hbm>>
      %dma_start3A_12 = tpu.memref_squeeze %dma_start3A_11 : memref<1x640x128xf32, #tpu.memory_space<hbm>> -> memref<640x128xf32, #tpu.memory_space<hbm>>
      %dma_start3A_13 = arith.constant 0 : i32
      %dma_start3A_14 = tpu.memref_slice %arg9[%mul3A_2, %dma_start3A_13] : memref<10240x128xf32, #tpu.memory_space<vmem_shared>> -> memref<640x128xf32, #tpu.memory_space<vmem_shared>>
      tpu.enqueue_dma source(%dma_start3A_14 : memref<640x128xf32, #tpu.memory_space<vmem_shared>>) target(%dma_start3A_12 : memref<640x128xf32, #tpu.memory_space<hbm>>) target_semaphore(%run_scoped3A : memref<!tpu.dma_semaphore, #tpu.memory_space<semaphore_mem>>)
      %dma_wait3A = arith.constant 0 : i32
      %dma_wait3A_15 = tpu.memref_slice %arg5[%arg0, %mul3A_2, %dma_wait3A] : memref<2x10240x128xf32, #tpu.memory_space<hbm>> -> memref<1x640x128xf32, #tpu.memory_space<hbm>>
      %dma_wait3A_16 = tpu.memref_squeeze %dma_wait3A_15 : memref<1x640x128xf32, #tpu.memory_space<hbm>> -> memref<640x128xf32, #tpu.memory_space<hbm>>
      %dma_wait3A_17 = arith.constant 0 : i32
      %dma_wait3A_18 = tpu.memref_slice %arg9[%mul3A_2, %dma_wait3A_17] : memref<10240x128xf32, #tpu.memory_space<vmem_shared>> -> memref<640x128xf32, #tpu.memory_space<vmem_shared>>
      tpu.wait_dma2 semaphore(%run_scoped3A : memref<!tpu.dma_semaphore, #tpu.memory_space<semaphore_mem>>) src(%dma_wait3A_18 : memref<640x128xf32, #tpu.memory_space<vmem_shared>>) dst(%dma_wait3A_16 : memref<640x128xf32, #tpu.memory_space<hbm>>)
      tpu.yield
    }) : () -> ()
    return
  }
}

#map = affine_map<(d0, d1) -> (0, 0)>
#map1 = affine_map<(d0, d1) -> (0, 0, 0)>
module attributes {stable_mosaic.version = 14 : i64} {
  func.func @k(%arg0: i32, %arg1: i32, %arg2: memref<81920x128xf32, #tpu.memory_space<hbm>>, %arg3: memref<32x20x128xi32, #tpu.memory_space<hbm>>, %arg4: memref<2x10240x128xf32, #tpu.memory_space<hbm>>, %arg5: memref<2x10240x128xf32, #tpu.memory_space<hbm>>, %arg6: memref<20x128xi32, #tpu.memory_space<vmem>>, %arg7: memref<128x128xf32, #tpu.memory_space<vmem>>, %arg8: memref<128x128xf32, #tpu.memory_space<vmem>>, %arg9: memref<10240x128xf32, #tpu.memory_space<vmem_shared>>, %arg10: memref<!tpu.dma_semaphore, #tpu.memory_space<semaphore_mem>>, %arg11: memref<!tpu.dma_semaphore, #tpu.memory_space<semaphore_mem>>, %arg12: memref<!tpu.dma_semaphore, #tpu.memory_space<semaphore_mem>>) attributes {dimension_semantics = [#tpu.dimension_semantics<core_parallel>, #tpu.dimension_semantics<subcore_parallel>], iteration_bounds = array<i64: 2, 16>, scalar_prefetch = 0 : i64, scratch_operands = 7 : i64, tpu.core_type = #tpu.core_type<sc_vector_subcore>, window_params = [{transform_indices = #map}, {transform_indices = #map1}, {transform_indices = #map1}, {transform_indices = #map1}]} {
    %mul3A = arith.constant 2 : i32
    %mul3A_0 = arith.muli %arg1, %mul3A : i32
    %add3A = arith.addi %mul3A_0, %arg0 : i32
    %mul3A_1 = arith.constant 640 : i32
    %mul3A_2 = arith.muli %arg1, %mul3A_1 : i32
    "tpu.region"() ({
      %run_scoped3A = tpu.sem_alloc : memref<!tpu.dma_semaphore, #tpu.memory_space<semaphore_mem>>
      %dma_start3A = arith.constant 0 : i32
      %dma_start3A_11 = tpu.memref_slice %arg9[%mul3A_2, %dma_start3A] : memref<10240x128xf32, #tpu.memory_space<vmem_shared>> -> memref<640x128xf32, #tpu.memory_space<vmem_shared>>
      %dma_start3A_12 = arith.constant 0 : i32
      %dma_start3A_13 = tpu.memref_slice %arg4[%arg0, %mul3A_2, %dma_start3A_12] : memref<2x10240x128xf32, #tpu.memory_space<hbm>> -> memref<1x640x128xf32, #tpu.memory_space<hbm>>
      %dma_start3A_14 = tpu.memref_squeeze %dma_start3A_13 : memref<1x640x128xf32, #tpu.memory_space<hbm>> -> memref<640x128xf32, #tpu.memory_space<hbm>>
      tpu.enqueue_dma source(%dma_start3A_14 : memref<640x128xf32, #tpu.memory_space<hbm>>) target(%dma_start3A_11 : memref<640x128xf32, #tpu.memory_space<vmem_shared>>) target_semaphore(%run_scoped3A : memref<!tpu.dma_semaphore, #tpu.memory_space<semaphore_mem>>)
      %dma_wait3A = arith.constant 0 : i32
      %dma_wait3A_15 = tpu.memref_slice %arg9[%mul3A_2, %dma_wait3A] : memref<10240x128xf32, #tpu.memory_space<vmem_shared>> -> memref<640x128xf32, #tpu.memory_space<vmem_shared>>
      %dma_wait3A_16 = arith.constant 0 : i32
      %dma_wait3A_17 = tpu.memref_slice %arg4[%arg0, %mul3A_2, %dma_wait3A_16] : memref<2x10240x128xf32, #tpu.memory_space<hbm>> -> memref<1x640x128xf32, #tpu.memory_space<hbm>>
      %dma_wait3A_18 = tpu.memref_squeeze %dma_wait3A_17 : memref<1x640x128xf32, #tpu.memory_space<hbm>> -> memref<640x128xf32, #tpu.memory_space<hbm>>
      tpu.wait_dma2 semaphore(%run_scoped3A : memref<!tpu.dma_semaphore, #tpu.memory_space<semaphore_mem>>) src(%dma_wait3A_18 : memref<640x128xf32, #tpu.memory_space<hbm>>) dst(%dma_wait3A_15 : memref<640x128xf32, #tpu.memory_space<vmem_shared>>)
      tpu.yield
    }) : () -> ()
    %barrier3A = arith.constant 0 : index
    tpu.barrier barrier_id(%barrier3A)
    %mul3A_3 = arith.constant 20 : i32
    %mul3A_4 = arith.muli %add3A, %mul3A_3 : i32
    "tpu.region"() ({
      %run_scoped3A = tpu.sem_alloc : memref<!tpu.dma_semaphore, #tpu.memory_space<semaphore_mem>>
      %dma_start3A = arith.constant 0 : i32
      %dma_start3A_11 = arith.constant 0 : i32
      %dma_start3A_12 = tpu.memref_slice %arg3[%add3A, %dma_start3A, %dma_start3A_11] : memref<32x20x128xi32, #tpu.memory_space<hbm>> -> memref<1x20x128xi32, #tpu.memory_space<hbm>>
      %dma_start3A_13 = tpu.memref_squeeze %dma_start3A_12 : memref<1x20x128xi32, #tpu.memory_space<hbm>> -> memref<20x128xi32, #tpu.memory_space<hbm>>
      %dma_start3A_14 = arith.constant 0 : i32
      %dma_start3A_15 = arith.constant 0 : i32
      %dma_start3A_16 = tpu.memref_slice %arg3[%add3A, %dma_start3A_14, %dma_start3A_15] : memref<32x20x128xi32, #tpu.memory_space<hbm>> -> memref<1x20x128xi32, #tpu.memory_space<hbm>>
      %dma_start3A_17 = tpu.memref_squeeze %dma_start3A_16 : memref<1x20x128xi32, #tpu.memory_space<hbm>> -> memref<20x128xi32, #tpu.memory_space<hbm>>
      tpu.enqueue_dma source(%dma_start3A_17 : memref<20x128xi32, #tpu.memory_space<hbm>>) target(%arg6 : memref<20x128xi32, #tpu.memory_space<vmem>>) target_semaphore(%run_scoped3A : memref<!tpu.dma_semaphore, #tpu.memory_space<semaphore_mem>>)
      %dma_wait3A = arith.constant 0 : i32
      %dma_wait3A_18 = arith.constant 0 : i32
      %dma_wait3A_19 = tpu.memref_slice %arg3[%add3A, %dma_wait3A, %dma_wait3A_18] : memref<32x20x128xi32, #tpu.memory_space<hbm>> -> memref<1x20x128xi32, #tpu.memory_space<hbm>>
      %dma_wait3A_20 = tpu.memref_squeeze %dma_wait3A_19 : memref<1x20x128xi32, #tpu.memory_space<hbm>> -> memref<20x128xi32, #tpu.memory_space<hbm>>
      %dma_wait3A_21 = arith.constant 0 : i32
      %dma_wait3A_22 = arith.constant 0 : i32
      %dma_wait3A_23 = tpu.memref_slice %arg3[%add3A, %dma_wait3A_21, %dma_wait3A_22] : memref<32x20x128xi32, #tpu.memory_space<hbm>> -> memref<1x20x128xi32, #tpu.memory_space<hbm>>
      %dma_wait3A_24 = tpu.memref_squeeze %dma_wait3A_23 : memref<1x20x128xi32, #tpu.memory_space<hbm>> -> memref<20x128xi32, #tpu.memory_space<hbm>>
      tpu.wait_dma2 semaphore(%run_scoped3A : memref<!tpu.dma_semaphore, #tpu.memory_space<semaphore_mem>>) src(%dma_wait3A_24 : memref<20x128xi32, #tpu.memory_space<hbm>>) dst(%arg6 : memref<20x128xi32, #tpu.memory_space<vmem>>)
      tpu.yield
    }) : () -> ()
    %scan3A = arith.constant 0 : i32
    %scan3A_5 = arith.constant 0 : i32
    %scan3A_6 = arith.constant 10 : i32
    %scan3A_7 = arith.addi %scan3A_5, %scan3A_6 : i32
    %scan3A_8 = arith.constant 1 : i32
    scf.for %scan3A_11 = %scan3A_5 to %scan3A_7 step %scan3A_8  : i32 {
      %mul3A_12 = arith.constant 2 : i32
      %mul3A_13 = arith.muli %mul3A_12, %scan3A_11 : i32
      %add3A_14 = arith.addi %mul3A_4, %mul3A_13 : i32
      %add3A_15 = arith.constant 0 : i32
      %add3A_16 = arith.addi %add3A_14, %add3A_15 : i32
      %mul3A_17 = arith.constant 128 : i32
      %mul3A_18 = arith.muli %add3A_16, %mul3A_17 : i32
      %dma_start3A = arith.constant 0 : i32
      %dma_start3A_19 = tpu.memref_slice %arg2[%mul3A_18, %dma_start3A] : memref<81920x128xf32, #tpu.memory_space<hbm>> -> memref<128x128xf32, #tpu.memory_space<hbm>>
      %dma_start3A_20 = arith.constant 0 : i32
      %dma_start3A_21 = tpu.memref_slice %arg2[%mul3A_18, %dma_start3A_20] : memref<81920x128xf32, #tpu.memory_space<hbm>> -> memref<128x128xf32, #tpu.memory_space<hbm>>
      tpu.enqueue_dma source(%dma_start3A_21 : memref<128x128xf32, #tpu.memory_space<hbm>>) target(%arg7 : memref<128x128xf32, #tpu.memory_space<vmem>>) target_semaphore(%arg10 : memref<!tpu.dma_semaphore, #tpu.memory_space<semaphore_mem>>)
      %add3A_22 = arith.addi %mul3A_4, %mul3A_13 : i32
      %add3A_23 = arith.constant 1 : i32
      %add3A_24 = arith.addi %add3A_22, %add3A_23 : i32
      %mul3A_25 = arith.constant 128 : i32
      %mul3A_26 = arith.muli %add3A_24, %mul3A_25 : i32
      %dma_start3A_27 = arith.constant 0 : i32
      %dma_start3A_28 = tpu.memref_slice %arg2[%mul3A_26, %dma_start3A_27] : memref<81920x128xf32, #tpu.memory_space<hbm>> -> memref<128x128xf32, #tpu.memory_space<hbm>>
      %dma_start3A_29 = arith.constant 0 : i32
      %dma_start3A_30 = tpu.memref_slice %arg2[%mul3A_26, %dma_start3A_29] : memref<81920x128xf32, #tpu.memory_space<hbm>> -> memref<128x128xf32, #tpu.memory_space<hbm>>
      tpu.enqueue_dma source(%dma_start3A_30 : memref<128x128xf32, #tpu.memory_space<hbm>>) target(%arg8 : memref<128x128xf32, #tpu.memory_space<vmem>>) target_semaphore(%arg11 : memref<!tpu.dma_semaphore, #tpu.memory_space<semaphore_mem>>)
      %dma_wait3A = arith.constant 0 : i32
      %dma_wait3A_31 = tpu.memref_slice %arg2[%mul3A_18, %dma_wait3A] : memref<81920x128xf32, #tpu.memory_space<hbm>> -> memref<128x128xf32, #tpu.memory_space<hbm>>
      %dma_wait3A_32 = arith.constant 0 : i32
      %dma_wait3A_33 = tpu.memref_slice %arg2[%mul3A_18, %dma_wait3A_32] : memref<81920x128xf32, #tpu.memory_space<hbm>> -> memref<128x128xf32, #tpu.memory_space<hbm>>
      tpu.wait_dma2 semaphore(%arg10 : memref<!tpu.dma_semaphore, #tpu.memory_space<semaphore_mem>>) src(%dma_wait3A_33 : memref<128x128xf32, #tpu.memory_space<hbm>>) dst(%arg7 : memref<128x128xf32, #tpu.memory_space<vmem>>)
      %add3A_34 = arith.constant 0 : i32
      %add3A_35 = arith.addi %mul3A_13, %add3A_34 : i32
      %dma_start3A_36 = arith.constant 0 : i32
      %dma_start3A_37 = tpu.memref_slice %arg6[%add3A_35, %dma_start3A_36] : memref<20x128xi32, #tpu.memory_space<vmem>> -> memref<1x128xi32, #tpu.memory_space<vmem>>
      %dma_start3A_38 = tpu.memref_squeeze %dma_start3A_37 : memref<1x128xi32, #tpu.memory_space<vmem>> -> memref<128xi32, #tpu.memory_space<vmem>>
      %dma_start3A_39 = arith.constant 0 : i32
      %dma_start3A_40 = arith.constant 0 : i32
      %dma_start3A_41 = tpu.memref_slice %arg9[%dma_start3A_39, %dma_start3A_40] : memref<10240x128xf32, #tpu.memory_space<vmem_shared>> -> memref<10240x128xf32, #tpu.memory_space<vmem_shared>>
      tpu.enqueue_indirect_dma source(%arg7 : memref<128x128xf32, #tpu.memory_space<vmem>>) target(%dma_start3A_41 : memref<10240x128xf32, #tpu.memory_space<vmem_shared>>) offsets(%dma_start3A_38 : memref<128xi32, #tpu.memory_space<vmem>>) semaphore(%arg12 : memref<!tpu.dma_semaphore, #tpu.memory_space<semaphore_mem>>) {add = true}
      %dma_wait3A_42 = arith.constant 0 : i32
      %dma_wait3A_43 = tpu.memref_slice %arg6[%add3A_35, %dma_wait3A_42] : memref<20x128xi32, #tpu.memory_space<vmem>> -> memref<1x128xi32, #tpu.memory_space<vmem>>
      %dma_wait3A_44 = tpu.memref_squeeze %dma_wait3A_43 : memref<1x128xi32, #tpu.memory_space<vmem>> -> memref<128xi32, #tpu.memory_space<vmem>>
      %dma_wait3A_45 = arith.constant 0 : i32
      %dma_wait3A_46 = arith.constant 0 : i32
      %dma_wait3A_47 = tpu.memref_slice %arg9[%dma_wait3A_45, %dma_wait3A_46] : memref<10240x128xf32, #tpu.memory_space<vmem_shared>> -> memref<10240x128xf32, #tpu.memory_space<vmem_shared>>
      tpu.wait_indirect_dma semaphore(%arg12 : memref<!tpu.dma_semaphore, #tpu.memory_space<semaphore_mem>>) src(%arg7 : memref<128x128xf32, #tpu.memory_space<vmem>>) dst(%dma_wait3A_47 : memref<10240x128xf32, #tpu.memory_space<vmem_shared>>)
      %dma_wait3A_48 = arith.constant 0 : i32
      %dma_wait3A_49 = tpu.memref_slice %arg2[%mul3A_26, %dma_wait3A_48] : memref<81920x128xf32, #tpu.memory_space<hbm>> -> memref<128x128xf32, #tpu.memory_space<hbm>>
      %dma_wait3A_50 = arith.constant 0 : i32
      %dma_wait3A_51 = tpu.memref_slice %arg2[%mul3A_26, %dma_wait3A_50] : memref<81920x128xf32, #tpu.memory_space<hbm>> -> memref<128x128xf32, #tpu.memory_space<hbm>>
      tpu.wait_dma2 semaphore(%arg11 : memref<!tpu.dma_semaphore, #tpu.memory_space<semaphore_mem>>) src(%dma_wait3A_51 : memref<128x128xf32, #tpu.memory_space<hbm>>) dst(%arg8 : memref<128x128xf32, #tpu.memory_space<vmem>>)
      %add3A_52 = arith.constant 1 : i32
      %add3A_53 = arith.addi %mul3A_13, %add3A_52 : i32
      %dma_start3A_54 = arith.constant 0 : i32
      %dma_start3A_55 = tpu.memref_slice %arg6[%add3A_53, %dma_start3A_54] : memref<20x128xi32, #tpu.memory_space<vmem>> -> memref<1x128xi32, #tpu.memory_space<vmem>>
      %dma_start3A_56 = tpu.memref_squeeze %dma_start3A_55 : memref<1x128xi32, #tpu.memory_space<vmem>> -> memref<128xi32, #tpu.memory_space<vmem>>
      %dma_start3A_57 = arith.constant 0 : i32
      %dma_start3A_58 = arith.constant 0 : i32
      %dma_start3A_59 = tpu.memref_slice %arg9[%dma_start3A_57, %dma_start3A_58] : memref<10240x128xf32, #tpu.memory_space<vmem_shared>> -> memref<10240x128xf32, #tpu.memory_space<vmem_shared>>
      tpu.enqueue_indirect_dma source(%arg8 : memref<128x128xf32, #tpu.memory_space<vmem>>) target(%dma_start3A_59 : memref<10240x128xf32, #tpu.memory_space<vmem_shared>>) offsets(%dma_start3A_56 : memref<128xi32, #tpu.memory_space<vmem>>) semaphore(%arg12 : memref<!tpu.dma_semaphore, #tpu.memory_space<semaphore_mem>>) {add = true}
      %dma_wait3A_60 = arith.constant 0 : i32
      %dma_wait3A_61 = tpu.memref_slice %arg6[%add3A_53, %dma_wait3A_60] : memref<20x128xi32, #tpu.memory_space<vmem>> -> memref<1x128xi32, #tpu.memory_space<vmem>>
      %dma_wait3A_62 = tpu.memref_squeeze %dma_wait3A_61 : memref<1x128xi32, #tpu.memory_space<vmem>> -> memref<128xi32, #tpu.memory_space<vmem>>
      %dma_wait3A_63 = arith.constant 0 : i32
      %dma_wait3A_64 = arith.constant 0 : i32
      %dma_wait3A_65 = tpu.memref_slice %arg9[%dma_wait3A_63, %dma_wait3A_64] : memref<10240x128xf32, #tpu.memory_space<vmem_shared>> -> memref<10240x128xf32, #tpu.memory_space<vmem_shared>>
      tpu.wait_indirect_dma semaphore(%arg12 : memref<!tpu.dma_semaphore, #tpu.memory_space<semaphore_mem>>) src(%arg8 : memref<128x128xf32, #tpu.memory_space<vmem>>) dst(%dma_wait3A_65 : memref<10240x128xf32, #tpu.memory_space<vmem_shared>>)
    }
    %scan3A_9 = arith.constant 10 : i32
    %barrier3A_10 = arith.constant 0 : index
    tpu.barrier barrier_id(%barrier3A_10)
    "tpu.region"() ({
      %run_scoped3A = tpu.sem_alloc : memref<!tpu.dma_semaphore, #tpu.memory_space<semaphore_mem>>
      %dma_start3A = arith.constant 0 : i32
      %dma_start3A_11 = tpu.memref_slice %arg5[%arg0, %mul3A_2, %dma_start3A] : memref<2x10240x128xf32, #tpu.memory_space<hbm>> -> memref<1x640x128xf32, #tpu.memory_space<hbm>>
      %dma_start3A_12 = tpu.memref_squeeze %dma_start3A_11 : memref<1x640x128xf32, #tpu.memory_space<hbm>> -> memref<640x128xf32, #tpu.memory_space<hbm>>
      %dma_start3A_13 = arith.constant 0 : i32
      %dma_start3A_14 = tpu.memref_slice %arg9[%mul3A_2, %dma_start3A_13] : memref<10240x128xf32, #tpu.memory_space<vmem_shared>> -> memref<640x128xf32, #tpu.memory_space<vmem_shared>>
      tpu.enqueue_dma source(%dma_start3A_14 : memref<640x128xf32, #tpu.memory_space<vmem_shared>>) target(%dma_start3A_12 : memref<640x128xf32, #tpu.memory_space<hbm>>) target_semaphore(%run_scoped3A : memref<!tpu.dma_semaphore, #tpu.memory_space<semaphore_mem>>)
      %dma_wait3A = arith.constant 0 : i32
      %dma_wait3A_15 = tpu.memref_slice %arg5[%arg0, %mul3A_2, %dma_wait3A] : memref<2x10240x128xf32, #tpu.memory_space<hbm>> -> memref<1x640x128xf32, #tpu.memory_space<hbm>>
      %dma_wait3A_16 = tpu.memref_squeeze %dma_wait3A_15 : memref<1x640x128xf32, #tpu.memory_space<hbm>> -> memref<640x128xf32, #tpu.memory_space<hbm>>
      %dma_wait3A_17 = arith.constant 0 : i32
      %dma_wait3A_18 = tpu.memref_slice %arg9[%mul3A_2, %dma_wait3A_17] : memref<10240x128xf32, #tpu.memory_space<vmem_shared>> -> memref<640x128xf32, #tpu.memory_space<vmem_shared>>
      tpu.wait_dma2 semaphore(%run_scoped3A : memref<!tpu.dma_semaphore, #tpu.memory_space<semaphore_mem>>) src(%dma_wait3A_18 : memref<640x128xf32, #tpu.memory_space<vmem_shared>>) dst(%dma_wait3A_16 : memref<640x128xf32, #tpu.memory_space<hbm>>)
      tpu.yield
    }) : () -> ()
    return
  }
}

#map = affine_map<(d0, d1) -> (0, 0)>
#map1 = affine_map<(d0, d1) -> (0, 0, 0)>
module attributes {stable_mosaic.version = 14 : i64} {
  func.func @k(%arg0: i32, %arg1: i32, %arg2: memref<10000x128xf32, #tpu.memory_space<hbm>>, %arg3: memref<32x20x128xi32, #tpu.memory_space<hbm>>, %arg4: memref<81920x128xf32, #tpu.memory_space<hbm>>, %arg5: memref<20x128xi32, #tpu.memory_space<vmem>>, %arg6: memref<128x128xf32, #tpu.memory_space<vmem>>, %arg7: memref<128x128xf32, #tpu.memory_space<vmem>>, %arg8: memref<128x128xf32, #tpu.memory_space<vmem>>, %arg9: memref<128x128xf32, #tpu.memory_space<vmem>>, %arg10: memref<!tpu.dma_semaphore, #tpu.memory_space<semaphore_mem>>, %arg11: memref<!tpu.dma_semaphore, #tpu.memory_space<semaphore_mem>>, %arg12: memref<!tpu.dma_semaphore, #tpu.memory_space<semaphore_mem>>, %arg13: memref<!tpu.dma_semaphore, #tpu.memory_space<semaphore_mem>>, %arg14: memref<!tpu.dma_semaphore, #tpu.memory_space<semaphore_mem>>, %arg15: memref<!tpu.dma_semaphore, #tpu.memory_space<semaphore_mem>>, %arg16: memref<!tpu.dma_semaphore, #tpu.memory_space<semaphore_mem>>, %arg17: memref<!tpu.dma_semaphore, #tpu.memory_space<semaphore_mem>>) attributes {dimension_semantics = [#tpu.dimension_semantics<core_parallel>, #tpu.dimension_semantics<subcore_parallel>], iteration_bounds = array<i64: 2, 16>, scalar_prefetch = 0 : i64, scratch_operands = 13 : i64, tpu.core_type = #tpu.core_type<sc_vector_subcore>, window_params = [{transform_indices = #map}, {transform_indices = #map1}, {transform_indices = #map}]} {
    %mul3A = arith.constant 2 : i32
    %mul3A_0 = arith.muli %arg1, %mul3A : i32
    %add3A = arith.addi %mul3A_0, %arg0 : i32
    %mul3A_1 = arith.constant 20 : i32
    %mul3A_2 = arith.muli %add3A, %mul3A_1 : i32
    "tpu.region"() ({
      %run_scoped3A = tpu.sem_alloc : memref<!tpu.dma_semaphore, #tpu.memory_space<semaphore_mem>>
      %dma_start3A = arith.constant 0 : i32
      %dma_start3A_8 = arith.constant 0 : i32
      %dma_start3A_9 = tpu.memref_slice %arg3[%add3A, %dma_start3A, %dma_start3A_8] : memref<32x20x128xi32, #tpu.memory_space<hbm>> -> memref<1x20x128xi32, #tpu.memory_space<hbm>>
      %dma_start3A_10 = tpu.memref_squeeze %dma_start3A_9 : memref<1x20x128xi32, #tpu.memory_space<hbm>> -> memref<20x128xi32, #tpu.memory_space<hbm>>
      %dma_start3A_11 = arith.constant 0 : i32
      %dma_start3A_12 = arith.constant 0 : i32
      %dma_start3A_13 = tpu.memref_slice %arg3[%add3A, %dma_start3A_11, %dma_start3A_12] : memref<32x20x128xi32, #tpu.memory_space<hbm>> -> memref<1x20x128xi32, #tpu.memory_space<hbm>>
      %dma_start3A_14 = tpu.memref_squeeze %dma_start3A_13 : memref<1x20x128xi32, #tpu.memory_space<hbm>> -> memref<20x128xi32, #tpu.memory_space<hbm>>
      tpu.enqueue_dma source(%dma_start3A_14 : memref<20x128xi32, #tpu.memory_space<hbm>>) target(%arg5 : memref<20x128xi32, #tpu.memory_space<vmem>>) target_semaphore(%run_scoped3A : memref<!tpu.dma_semaphore, #tpu.memory_space<semaphore_mem>>)
      %dma_wait3A = arith.constant 0 : i32
      %dma_wait3A_15 = arith.constant 0 : i32
      %dma_wait3A_16 = tpu.memref_slice %arg3[%add3A, %dma_wait3A, %dma_wait3A_15] : memref<32x20x128xi32, #tpu.memory_space<hbm>> -> memref<1x20x128xi32, #tpu.memory_space<hbm>>
      %dma_wait3A_17 = tpu.memref_squeeze %dma_wait3A_16 : memref<1x20x128xi32, #tpu.memory_space<hbm>> -> memref<20x128xi32, #tpu.memory_space<hbm>>
      %dma_wait3A_18 = arith.constant 0 : i32
      %dma_wait3A_19 = arith.constant 0 : i32
      %dma_wait3A_20 = tpu.memref_slice %arg3[%add3A, %dma_wait3A_18, %dma_wait3A_19] : memref<32x20x128xi32, #tpu.memory_space<hbm>> -> memref<1x20x128xi32, #tpu.memory_space<hbm>>
      %dma_wait3A_21 = tpu.memref_squeeze %dma_wait3A_20 : memref<1x20x128xi32, #tpu.memory_space<hbm>> -> memref<20x128xi32, #tpu.memory_space<hbm>>
      tpu.wait_dma2 semaphore(%run_scoped3A : memref<!tpu.dma_semaphore, #tpu.memory_space<semaphore_mem>>) src(%dma_wait3A_21 : memref<20x128xi32, #tpu.memory_space<hbm>>) dst(%arg5 : memref<20x128xi32, #tpu.memory_space<vmem>>)
      tpu.yield
    }) : () -> ()
    %scan3A = arith.constant 0 : i32
    %scan3A_3 = arith.constant 0 : i32
    %scan3A_4 = arith.constant 5 : i32
    %scan3A_5 = arith.addi %scan3A_3, %scan3A_4 : i32
    %scan3A_6 = arith.constant 1 : i32
    scf.for %scan3A_8 = %scan3A_3 to %scan3A_5 step %scan3A_6  : i32 {
      %mul3A_9 = arith.constant 4 : i32
      %mul3A_10 = arith.muli %mul3A_9, %scan3A_8 : i32
      %add3A_11 = arith.constant 0 : i32
      %add3A_12 = arith.addi %mul3A_10, %add3A_11 : i32
      %dma_start3A = arith.constant 0 : i32
      %dma_start3A_13 = tpu.memref_slice %arg5[%add3A_12, %dma_start3A] : memref<20x128xi32, #tpu.memory_space<vmem>> -> memref<1x128xi32, #tpu.memory_space<vmem>>
      %dma_start3A_14 = tpu.memref_squeeze %dma_start3A_13 : memref<1x128xi32, #tpu.memory_space<vmem>> -> memref<128xi32, #tpu.memory_space<vmem>>
      %dma_start3A_15 = arith.constant 0 : i32
      %dma_start3A_16 = arith.constant 0 : i32
      %dma_start3A_17 = tpu.memref_slice %arg2[%dma_start3A_15, %dma_start3A_16] : memref<10000x128xf32, #tpu.memory_space<hbm>> -> memref<10000x128xf32, #tpu.memory_space<hbm>>
      tpu.enqueue_indirect_dma source(%dma_start3A_17 : memref<10000x128xf32, #tpu.memory_space<hbm>>) target(%arg6 : memref<128x128xf32, #tpu.memory_space<vmem>>) offsets(%dma_start3A_14 : memref<128xi32, #tpu.memory_space<vmem>>) semaphore(%arg10 : memref<!tpu.dma_semaphore, #tpu.memory_space<semaphore_mem>>)
      %add3A_18 = arith.constant 1 : i32
      %add3A_19 = arith.addi %mul3A_10, %add3A_18 : i32
      %dma_start3A_20 = arith.constant 0 : i32
      %dma_start3A_21 = tpu.memref_slice %arg5[%add3A_19, %dma_start3A_20] : memref<20x128xi32, #tpu.memory_space<vmem>> -> memref<1x128xi32, #tpu.memory_space<vmem>>
      %dma_start3A_22 = tpu.memref_squeeze %dma_start3A_21 : memref<1x128xi32, #tpu.memory_space<vmem>> -> memref<128xi32, #tpu.memory_space<vmem>>
      %dma_start3A_23 = arith.constant 0 : i32
      %dma_start3A_24 = arith.constant 0 : i32
      %dma_start3A_25 = tpu.memref_slice %arg2[%dma_start3A_23, %dma_start3A_24] : memref<10000x128xf32, #tpu.memory_space<hbm>> -> memref<10000x128xf32, #tpu.memory_space<hbm>>
      tpu.enqueue_indirect_dma source(%dma_start3A_25 : memref<10000x128xf32, #tpu.memory_space<hbm>>) target(%arg7 : memref<128x128xf32, #tpu.memory_space<vmem>>) offsets(%dma_start3A_22 : memref<128xi32, #tpu.memory_space<vmem>>) semaphore(%arg11 : memref<!tpu.dma_semaphore, #tpu.memory_space<semaphore_mem>>)
      %add3A_26 = arith.constant 2 : i32
      %add3A_27 = arith.addi %mul3A_10, %add3A_26 : i32
      %dma_start3A_28 = arith.constant 0 : i32
      %dma_start3A_29 = tpu.memref_slice %arg5[%add3A_27, %dma_start3A_28] : memref<20x128xi32, #tpu.memory_space<vmem>> -> memref<1x128xi32, #tpu.memory_space<vmem>>
      %dma_start3A_30 = tpu.memref_squeeze %dma_start3A_29 : memref<1x128xi32, #tpu.memory_space<vmem>> -> memref<128xi32, #tpu.memory_space<vmem>>
      %dma_start3A_31 = arith.constant 0 : i32
      %dma_start3A_32 = arith.constant 0 : i32
      %dma_start3A_33 = tpu.memref_slice %arg2[%dma_start3A_31, %dma_start3A_32] : memref<10000x128xf32, #tpu.memory_space<hbm>> -> memref<10000x128xf32, #tpu.memory_space<hbm>>
      tpu.enqueue_indirect_dma source(%dma_start3A_33 : memref<10000x128xf32, #tpu.memory_space<hbm>>) target(%arg8 : memref<128x128xf32, #tpu.memory_space<vmem>>) offsets(%dma_start3A_30 : memref<128xi32, #tpu.memory_space<vmem>>) semaphore(%arg12 : memref<!tpu.dma_semaphore, #tpu.memory_space<semaphore_mem>>)
      %add3A_34 = arith.constant 3 : i32
      %add3A_35 = arith.addi %mul3A_10, %add3A_34 : i32
      %dma_start3A_36 = arith.constant 0 : i32
      %dma_start3A_37 = tpu.memref_slice %arg5[%add3A_35, %dma_start3A_36] : memref<20x128xi32, #tpu.memory_space<vmem>> -> memref<1x128xi32, #tpu.memory_space<vmem>>
      %dma_start3A_38 = tpu.memref_squeeze %dma_start3A_37 : memref<1x128xi32, #tpu.memory_space<vmem>> -> memref<128xi32, #tpu.memory_space<vmem>>
      %dma_start3A_39 = arith.constant 0 : i32
      %dma_start3A_40 = arith.constant 0 : i32
      %dma_start3A_41 = tpu.memref_slice %arg2[%dma_start3A_39, %dma_start3A_40] : memref<10000x128xf32, #tpu.memory_space<hbm>> -> memref<10000x128xf32, #tpu.memory_space<hbm>>
      tpu.enqueue_indirect_dma source(%dma_start3A_41 : memref<10000x128xf32, #tpu.memory_space<hbm>>) target(%arg9 : memref<128x128xf32, #tpu.memory_space<vmem>>) offsets(%dma_start3A_38 : memref<128xi32, #tpu.memory_space<vmem>>) semaphore(%arg13 : memref<!tpu.dma_semaphore, #tpu.memory_space<semaphore_mem>>)
      %dma_wait3A = arith.constant 0 : i32
      %dma_wait3A_42 = tpu.memref_slice %arg5[%add3A_12, %dma_wait3A] : memref<20x128xi32, #tpu.memory_space<vmem>> -> memref<1x128xi32, #tpu.memory_space<vmem>>
      %dma_wait3A_43 = tpu.memref_squeeze %dma_wait3A_42 : memref<1x128xi32, #tpu.memory_space<vmem>> -> memref<128xi32, #tpu.memory_space<vmem>>
      %dma_wait3A_44 = arith.constant 0 : i32
      %dma_wait3A_45 = arith.constant 0 : i32
      %dma_wait3A_46 = tpu.memref_slice %arg2[%dma_wait3A_44, %dma_wait3A_45] : memref<10000x128xf32, #tpu.memory_space<hbm>> -> memref<10000x128xf32, #tpu.memory_space<hbm>>
      tpu.wait_indirect_dma semaphore(%arg10 : memref<!tpu.dma_semaphore, #tpu.memory_space<semaphore_mem>>) src(%dma_wait3A_46 : memref<10000x128xf32, #tpu.memory_space<hbm>>) dst(%arg6 : memref<128x128xf32, #tpu.memory_space<vmem>>)
      %add3A_47 = arith.addi %mul3A_2, %mul3A_10 : i32
      %add3A_48 = arith.constant 0 : i32
      %add3A_49 = arith.addi %add3A_47, %add3A_48 : i32
      %mul3A_50 = arith.constant 128 : i32
      %mul3A_51 = arith.muli %add3A_49, %mul3A_50 : i32
      %dma_start3A_52 = arith.constant 0 : i32
      %dma_start3A_53 = tpu.memref_slice %arg4[%mul3A_51, %dma_start3A_52] : memref<81920x128xf32, #tpu.memory_space<hbm>> -> memref<128x128xf32, #tpu.memory_space<hbm>>
      %dma_start3A_54 = arith.constant 0 : i32
      %dma_start3A_55 = tpu.memref_slice %arg4[%mul3A_51, %dma_start3A_54] : memref<81920x128xf32, #tpu.memory_space<hbm>> -> memref<128x128xf32, #tpu.memory_space<hbm>>
      tpu.enqueue_dma source(%arg6 : memref<128x128xf32, #tpu.memory_space<vmem>>) target(%dma_start3A_55 : memref<128x128xf32, #tpu.memory_space<hbm>>) target_semaphore(%arg14 : memref<!tpu.dma_semaphore, #tpu.memory_space<semaphore_mem>>)
      %dma_wait3A_56 = arith.constant 0 : i32
      %dma_wait3A_57 = tpu.memref_slice %arg5[%add3A_19, %dma_wait3A_56] : memref<20x128xi32, #tpu.memory_space<vmem>> -> memref<1x128xi32, #tpu.memory_space<vmem>>
      %dma_wait3A_58 = tpu.memref_squeeze %dma_wait3A_57 : memref<1x128xi32, #tpu.memory_space<vmem>> -> memref<128xi32, #tpu.memory_space<vmem>>
      %dma_wait3A_59 = arith.constant 0 : i32
      %dma_wait3A_60 = arith.constant 0 : i32
      %dma_wait3A_61 = tpu.memref_slice %arg2[%dma_wait3A_59, %dma_wait3A_60] : memref<10000x128xf32, #tpu.memory_space<hbm>> -> memref<10000x128xf32, #tpu.memory_space<hbm>>
      tpu.wait_indirect_dma semaphore(%arg11 : memref<!tpu.dma_semaphore, #tpu.memory_space<semaphore_mem>>) src(%dma_wait3A_61 : memref<10000x128xf32, #tpu.memory_space<hbm>>) dst(%arg7 : memref<128x128xf32, #tpu.memory_space<vmem>>)
      %add3A_62 = arith.addi %mul3A_2, %mul3A_10 : i32
      %add3A_63 = arith.constant 1 : i32
      %add3A_64 = arith.addi %add3A_62, %add3A_63 : i32
      %mul3A_65 = arith.constant 128 : i32
      %mul3A_66 = arith.muli %add3A_64, %mul3A_65 : i32
      %dma_start3A_67 = arith.constant 0 : i32
      %dma_start3A_68 = tpu.memref_slice %arg4[%mul3A_66, %dma_start3A_67] : memref<81920x128xf32, #tpu.memory_space<hbm>> -> memref<128x128xf32, #tpu.memory_space<hbm>>
      %dma_start3A_69 = arith.constant 0 : i32
      %dma_start3A_70 = tpu.memref_slice %arg4[%mul3A_66, %dma_start3A_69] : memref<81920x128xf32, #tpu.memory_space<hbm>> -> memref<128x128xf32, #tpu.memory_space<hbm>>
      tpu.enqueue_dma source(%arg7 : memref<128x128xf32, #tpu.memory_space<vmem>>) target(%dma_start3A_70 : memref<128x128xf32, #tpu.memory_space<hbm>>) target_semaphore(%arg15 : memref<!tpu.dma_semaphore, #tpu.memory_space<semaphore_mem>>)
      %dma_wait3A_71 = arith.constant 0 : i32
      %dma_wait3A_72 = tpu.memref_slice %arg5[%add3A_27, %dma_wait3A_71] : memref<20x128xi32, #tpu.memory_space<vmem>> -> memref<1x128xi32, #tpu.memory_space<vmem>>
      %dma_wait3A_73 = tpu.memref_squeeze %dma_wait3A_72 : memref<1x128xi32, #tpu.memory_space<vmem>> -> memref<128xi32, #tpu.memory_space<vmem>>
      %dma_wait3A_74 = arith.constant 0 : i32
      %dma_wait3A_75 = arith.constant 0 : i32
      %dma_wait3A_76 = tpu.memref_slice %arg2[%dma_wait3A_74, %dma_wait3A_75] : memref<10000x128xf32, #tpu.memory_space<hbm>> -> memref<10000x128xf32, #tpu.memory_space<hbm>>
      tpu.wait_indirect_dma semaphore(%arg12 : memref<!tpu.dma_semaphore, #tpu.memory_space<semaphore_mem>>) src(%dma_wait3A_76 : memref<10000x128xf32, #tpu.memory_space<hbm>>) dst(%arg8 : memref<128x128xf32, #tpu.memory_space<vmem>>)
      %add3A_77 = arith.addi %mul3A_2, %mul3A_10 : i32
      %add3A_78 = arith.constant 2 : i32
      %add3A_79 = arith.addi %add3A_77, %add3A_78 : i32
      %mul3A_80 = arith.constant 128 : i32
      %mul3A_81 = arith.muli %add3A_79, %mul3A_80 : i32
      %dma_start3A_82 = arith.constant 0 : i32
      %dma_start3A_83 = tpu.memref_slice %arg4[%mul3A_81, %dma_start3A_82] : memref<81920x128xf32, #tpu.memory_space<hbm>> -> memref<128x128xf32, #tpu.memory_space<hbm>>
      %dma_start3A_84 = arith.constant 0 : i32
      %dma_start3A_85 = tpu.memref_slice %arg4[%mul3A_81, %dma_start3A_84] : memref<81920x128xf32, #tpu.memory_space<hbm>> -> memref<128x128xf32, #tpu.memory_space<hbm>>
      tpu.enqueue_dma source(%arg8 : memref<128x128xf32, #tpu.memory_space<vmem>>) target(%dma_start3A_85 : memref<128x128xf32, #tpu.memory_space<hbm>>) target_semaphore(%arg16 : memref<!tpu.dma_semaphore, #tpu.memory_space<semaphore_mem>>)
      %dma_wait3A_86 = arith.constant 0 : i32
      %dma_wait3A_87 = tpu.memref_slice %arg5[%add3A_35, %dma_wait3A_86] : memref<20x128xi32, #tpu.memory_space<vmem>> -> memref<1x128xi32, #tpu.memory_space<vmem>>
      %dma_wait3A_88 = tpu.memref_squeeze %dma_wait3A_87 : memref<1x128xi32, #tpu.memory_space<vmem>> -> memref<128xi32, #tpu.memory_space<vmem>>
      %dma_wait3A_89 = arith.constant 0 : i32
      %dma_wait3A_90 = arith.constant 0 : i32
      %dma_wait3A_91 = tpu.memref_slice %arg2[%dma_wait3A_89, %dma_wait3A_90] : memref<10000x128xf32, #tpu.memory_space<hbm>> -> memref<10000x128xf32, #tpu.memory_space<hbm>>
      tpu.wait_indirect_dma semaphore(%arg13 : memref<!tpu.dma_semaphore, #tpu.memory_space<semaphore_mem>>) src(%dma_wait3A_91 : memref<10000x128xf32, #tpu.memory_space<hbm>>) dst(%arg9 : memref<128x128xf32, #tpu.memory_space<vmem>>)
      %add3A_92 = arith.addi %mul3A_2, %mul3A_10 : i32
      %add3A_93 = arith.constant 3 : i32
      %add3A_94 = arith.addi %add3A_92, %add3A_93 : i32
      %mul3A_95 = arith.constant 128 : i32
      %mul3A_96 = arith.muli %add3A_94, %mul3A_95 : i32
      %dma_start3A_97 = arith.constant 0 : i32
      %dma_start3A_98 = tpu.memref_slice %arg4[%mul3A_96, %dma_start3A_97] : memref<81920x128xf32, #tpu.memory_space<hbm>> -> memref<128x128xf32, #tpu.memory_space<hbm>>
      %dma_start3A_99 = arith.constant 0 : i32
      %dma_start3A_100 = tpu.memref_slice %arg4[%mul3A_96, %dma_start3A_99] : memref<81920x128xf32, #tpu.memory_space<hbm>> -> memref<128x128xf32, #tpu.memory_space<hbm>>
      tpu.enqueue_dma source(%arg9 : memref<128x128xf32, #tpu.memory_space<vmem>>) target(%dma_start3A_100 : memref<128x128xf32, #tpu.memory_space<hbm>>) target_semaphore(%arg17 : memref<!tpu.dma_semaphore, #tpu.memory_space<semaphore_mem>>)
      %dma_wait3A_101 = arith.constant 0 : i32
      %dma_wait3A_102 = tpu.memref_slice %arg4[%mul3A_51, %dma_wait3A_101] : memref<81920x128xf32, #tpu.memory_space<hbm>> -> memref<128x128xf32, #tpu.memory_space<hbm>>
      %dma_wait3A_103 = arith.constant 0 : i32
      %dma_wait3A_104 = tpu.memref_slice %arg4[%mul3A_51, %dma_wait3A_103] : memref<81920x128xf32, #tpu.memory_space<hbm>> -> memref<128x128xf32, #tpu.memory_space<hbm>>
      tpu.wait_dma2 semaphore(%arg14 : memref<!tpu.dma_semaphore, #tpu.memory_space<semaphore_mem>>) src(%arg6 : memref<128x128xf32, #tpu.memory_space<vmem>>) dst(%dma_wait3A_104 : memref<128x128xf32, #tpu.memory_space<hbm>>)
      %dma_wait3A_105 = arith.constant 0 : i32
      %dma_wait3A_106 = tpu.memref_slice %arg4[%mul3A_66, %dma_wait3A_105] : memref<81920x128xf32, #tpu.memory_space<hbm>> -> memref<128x128xf32, #tpu.memory_space<hbm>>
      %dma_wait3A_107 = arith.constant 0 : i32
      %dma_wait3A_108 = tpu.memref_slice %arg4[%mul3A_66, %dma_wait3A_107] : memref<81920x128xf32, #tpu.memory_space<hbm>> -> memref<128x128xf32, #tpu.memory_space<hbm>>
      tpu.wait_dma2 semaphore(%arg15 : memref<!tpu.dma_semaphore, #tpu.memory_space<semaphore_mem>>) src(%arg7 : memref<128x128xf32, #tpu.memory_space<vmem>>) dst(%dma_wait3A_108 : memref<128x128xf32, #tpu.memory_space<hbm>>)
      %dma_wait3A_109 = arith.constant 0 : i32
      %dma_wait3A_110 = tpu.memref_slice %arg4[%mul3A_81, %dma_wait3A_109] : memref<81920x128xf32, #tpu.memory_space<hbm>> -> memref<128x128xf32, #tpu.memory_space<hbm>>
      %dma_wait3A_111 = arith.constant 0 : i32
      %dma_wait3A_112 = tpu.memref_slice %arg4[%mul3A_81, %dma_wait3A_111] : memref<81920x128xf32, #tpu.memory_space<hbm>> -> memref<128x128xf32, #tpu.memory_space<hbm>>
      tpu.wait_dma2 semaphore(%arg16 : memref<!tpu.dma_semaphore, #tpu.memory_space<semaphore_mem>>) src(%arg8 : memref<128x128xf32, #tpu.memory_space<vmem>>) dst(%dma_wait3A_112 : memref<128x128xf32, #tpu.memory_space<hbm>>)
      %dma_wait3A_113 = arith.constant 0 : i32
      %dma_wait3A_114 = tpu.memref_slice %arg4[%mul3A_96, %dma_wait3A_113] : memref<81920x128xf32, #tpu.memory_space<hbm>> -> memref<128x128xf32, #tpu.memory_space<hbm>>
      %dma_wait3A_115 = arith.constant 0 : i32
      %dma_wait3A_116 = tpu.memref_slice %arg4[%mul3A_96, %dma_wait3A_115] : memref<81920x128xf32, #tpu.memory_space<hbm>> -> memref<128x128xf32, #tpu.memory_space<hbm>>
      tpu.wait_dma2 semaphore(%arg17 : memref<!tpu.dma_semaphore, #tpu.memory_space<semaphore_mem>>) src(%arg9 : memref<128x128xf32, #tpu.memory_space<vmem>>) dst(%dma_wait3A_116 : memref<128x128xf32, #tpu.memory_space<hbm>>)
    }
    %scan3A_7 = arith.constant 5 : i32
    return
  }
}

module attributes {stable_mosaic.version = 14 : i64} {
  func.func @_wnf_body(%arg0: i32, %arg1: memref<1000x128xf32, #tpu.memory_space<vmem>>, %arg2: memref<128x128xf32, #tpu.memory_space<vmem>>, %arg3: memref<1000x128xf32, #tpu.memory_space<vmem>>) attributes {dimension_semantics = [#tpu.dimension_semantics<arbitrary>], iteration_bounds = array<i64: 10>, scalar_prefetch = 0 : i64, scratch_operands = 0 : i64, tpu.core_type = #tpu.core_type<tc>, window_params = [{transform_indices = @transform_0, window_bounds = array<i64: 1000, 128>}, {pipeline_mode = #tpu.pipeline_mode<synchronous>, transform_indices = @transform_1, window_bounds = array<i64: 128, 128>}, {transform_indices = @transform_2, window_bounds = array<i64: 1000, 128>}]} {
    %get3A = arith.constant 0 : index
    %get3A_0 = arith.constant 0 : index
    %get3A_1 = vector.load %arg1[%get3A, %get3A_0] : memref<1000x128xf32, #tpu.memory_space<vmem>>, vector<1000x128xf32>
    %get3A_2 = arith.constant 0 : index
    %get3A_3 = arith.constant 0 : index
    %get3A_4 = vector.load %arg2[%get3A_2, %get3A_3] : memref<128x128xf32, #tpu.memory_space<vmem>>, vector<128x128xf32>
    %dot_general3A = arith.constant dense<0.000000e+00> : vector<1000x128xf32>
    %dot_general3A_5 = tpu.matmul %get3A_1, %get3A_4, %dot_general3A {dimension_numbers = #tpu.dot_dimension_numbers<[1], [0], [0], [1], [0, 0, 1, 1], [], []>, transpose_lhs_hint = false} : vector<1000x128xf32>, vector<128x128xf32>, vector<1000x128xf32> -> vector<1000x128xf32>
    %swap3A = arith.constant 0 : index
    %swap3A_6 = arith.constant 0 : index
    %swap3A_7 = vector.load %arg3[%swap3A, %swap3A_6] : memref<1000x128xf32, #tpu.memory_space<vmem>>, vector<1000x128xf32>
    tpu.vector_store %arg3[%swap3A, %swap3A_6], %dot_general3A_5 {strides = array<i32>} : memref<1000x128xf32, #tpu.memory_space<vmem>>, vector<1000x128xf32>,
    return
  }
  func.func @transform_0(%arg0: i32) -> (i32, i32) {
    %c0_i32 = arith.constant 0 : i32
    %c0_i32_0 = arith.constant 0 : i32
    return %arg0, %c0_i32 : i32, i32
  }
  func.func @transform_1(%arg0: i32) -> (i32, i32) {
    %c0_i32 = arith.constant 0 : i32
    %c0_i32_0 = arith.constant 0 : i32
    %c0_i32_1 = arith.constant 0 : i32
    return %c0_i32, %c0_i32_0 : i32, i32
  }
  func.func @transform_2(%arg0: i32) -> (i32, i32) {
    %c0_i32 = arith.constant 0 : i32
    %c0_i32_0 = arith.constant 0 : i32
    return %arg0, %c0_i32 : i32, i32
  }
}

module attributes {stable_mosaic.version = 14 : i64} {
  func.func @_edge_body(%arg0: i32, %arg1: memref<2048x8xf32, #tpu.memory_space<vmem>>, %arg2: memref<2048x4xf32, #tpu.memory_space<vmem>>, %arg3: memref<2048x128xf32, #tpu.memory_space<vmem>>, %arg4: memref<8x64xf32, #tpu.memory_space<vmem>>, %arg5: memref<64x64xf32, #tpu.memory_space<vmem>>, %arg6: memref<64x64xf32, #tpu.memory_space<vmem>>, %arg7: memref<64x512xf32, #tpu.memory_space<vmem>>, %arg8: memref<512x128xf32, #tpu.memory_space<vmem>>, %arg9: memref<2048x128xf32, #tpu.memory_space<vmem>>) attributes {dimension_semantics = [#tpu.dimension_semantics<arbitrary>], iteration_bounds = array<i64: 40>, scalar_prefetch = 0 : i64, scratch_operands = 0 : i64, tpu.core_type = #tpu.core_type<tc>, window_params = [{transform_indices = @transform_0, window_bounds = array<i64: 2048, 8>}, {transform_indices = @transform_1, window_bounds = array<i64: 2048, 4>}, {transform_indices = @transform_2, window_bounds = array<i64: 2048, 128>}, {pipeline_mode = #tpu.pipeline_mode<synchronous>, transform_indices = @transform_3, window_bounds = array<i64: 8, 64>}, {pipeline_mode = #tpu.pipeline_mode<synchronous>, transform_indices = @transform_4, window_bounds = array<i64: 64, 64>}, {pipeline_mode = #tpu.pipeline_mode<synchronous>, transform_indices = @transform_5, window_bounds = array<i64: 64, 64>}, {pipeline_mode = #tpu.pipeline_mode<synchronous>, transform_indices = @transform_6, window_bounds = array<i64: 64, 512>}, {pipeline_mode = #tpu.pipeline_mode<synchronous>, transform_indices = @transform_7, window_bounds = array<i64: 512, 128>}, {transform_indices = @transform_8, window_bounds = array<i64: 2048, 128>}]} {
    %get3A = arith.constant 0 : index
    %get3A_0 = arith.constant 0 : index
    %get3A_1 = vector.load %arg1[%get3A, %get3A_0] : memref<2048x8xf32, #tpu.memory_space<vmem>>, vector<2048x8xf32>
    %get3A_2 = arith.constant 0 : index
    %get3A_3 = arith.constant 0 : index
    %get3A_4 = vector.load %arg4[%get3A_2, %get3A_3] : memref<8x64xf32, #tpu.memory_space<vmem>>, vector<8x64xf32>
    %dot_general3A = arith.constant dense<0.000000e+00> : vector<2048x64xf32>
    %dot_general3A_5 = tpu.matmul %get3A_1, %get3A_4, %dot_general3A {dimension_numbers = #tpu.dot_dimension_numbers<[1], [0], [0], [1], [0, 0, 1, 1], [], []>, transpose_lhs_hint = false} : vector<2048x8xf32>, vector<8x64xf32>, vector<2048x64xf32> -> vector<2048x64xf32>
    %logistic3A = arith.negf %dot_general3A_5 : vector<2048x64xf32>
    %logistic3A_6 = math.exp %logistic3A : vector<2048x64xf32>
    %logistic3A_7 = arith.constant 1.000000e+00 : f32
    %logistic3A_8 = vector.broadcast %logistic3A_7 : f32 to vector<2048x64xf32>
    %logistic3A_9 = arith.addf %logistic3A_8, %logistic3A_6 : vector<2048x64xf32>
    %logistic3A_10 = arith.divf %logistic3A_8, %logistic3A_9 : vector<2048x64xf32>
    %mul3A = arith.mulf %dot_general3A_5, %logistic3A_10 : vector<2048x64xf32>
    %get3A_11 = arith.constant 0 : index
    %get3A_12 = arith.constant 0 : index
    %get3A_13 = vector.load %arg5[%get3A_11, %get3A_12] : memref<64x64xf32, #tpu.memory_space<vmem>>, vector<64x64xf32>
    %dot_general3A_14 = arith.constant dense<0.000000e+00> : vector<2048x64xf32>
    %dot_general3A_15 = tpu.matmul %mul3A, %get3A_13, %dot_general3A_14 {dimension_numbers = #tpu.dot_dimension_numbers<[1], [0], [0], [1], [0, 0, 1, 1], [], []>, transpose_lhs_hint = false} : vector<2048x64xf32>, vector<64x64xf32>, vector<2048x64xf32> -> vector<2048x64xf32>
    %logistic3A_16 = arith.negf %dot_general3A_15 : vector<2048x64xf32>
    %logistic3A_17 = math.exp %logistic3A_16 : vector<2048x64xf32>
    %logistic3A_18 = arith.constant 1.000000e+00 : f32
    %logistic3A_19 = vector.broadcast %logistic3A_18 : f32 to vector<2048x64xf32>
    %logistic3A_20 = arith.addf %logistic3A_19, %logistic3A_17 : vector<2048x64xf32>
    %logistic3A_21 = arith.divf %logistic3A_19, %logistic3A_20 : vector<2048x64xf32>
    %mul3A_22 = arith.mulf %dot_general3A_15, %logistic3A_21 : vector<2048x64xf32>
    %get3A_23 = arith.constant 0 : index
    %get3A_24 = arith.constant 0 : index
    %get3A_25 = vector.load %arg6[%get3A_23, %get3A_24] : memref<64x64xf32, #tpu.memory_space<vmem>>, vector<64x64xf32>
    %dot_general3A_26 = arith.constant dense<0.000000e+00> : vector<2048x64xf32>
    %dot_general3A_27 = tpu.matmul %mul3A_22, %get3A_25, %dot_general3A_26 {dimension_numbers = #tpu.dot_dimension_numbers<[1], [0], [0], [1], [0, 0, 1, 1], [], []>, transpose_lhs_hint = false} : vector<2048x64xf32>, vector<64x64xf32>, vector<2048x64xf32> -> vector<2048x64xf32>
    %logistic3A_28 = arith.negf %dot_general3A_27 : vector<2048x64xf32>
    %logistic3A_29 = math.exp %logistic3A_28 : vector<2048x64xf32>
    %logistic3A_30 = arith.constant 1.000000e+00 : f32
    %logistic3A_31 = vector.broadcast %logistic3A_30 : f32 to vector<2048x64xf32>
    %logistic3A_32 = arith.addf %logistic3A_31, %logistic3A_29 : vector<2048x64xf32>
    %logistic3A_33 = arith.divf %logistic3A_31, %logistic3A_32 : vector<2048x64xf32>
    %mul3A_34 = arith.mulf %dot_general3A_27, %logistic3A_33 : vector<2048x64xf32>
    %get3A_35 = arith.constant 0 : index
    %get3A_36 = arith.constant 0 : index
    %get3A_37 = vector.load %arg7[%get3A_35, %get3A_36] : memref<64x512xf32, #tpu.memory_space<vmem>>, vector<64x512xf32>
    %dot_general3A_38 = arith.constant dense<0.000000e+00> : vector<2048x512xf32>
    %dot_general3A_39 = tpu.matmul %mul3A_34, %get3A_37, %dot_general3A_38 {dimension_numbers = #tpu.dot_dimension_numbers<[1], [0], [0], [1], [0, 0, 1, 1], [], []>, transpose_lhs_hint = false} : vector<2048x64xf32>, vector<64x512xf32>, vector<2048x512xf32> -> vector<2048x512xf32>
    %get3A_40 = arith.constant 0 : index
    %get3A_41 = arith.constant 0 : index
    %get3A_42 = vector.load %arg3[%get3A_40, %get3A_41] : memref<2048x128xf32, #tpu.memory_space<vmem>>, vector<2048x128xf32>
    %get3A_43 = arith.constant 0 : index
    %get3A_44 = arith.constant 0 : index
    %get3A_45 = vector.load %arg2[%get3A_43, %get3A_44] : memref<2048x4xf32, #tpu.memory_space<vmem>>, vector<2048x4xf32>
    %get3A_46 = arith.constant 0 : index
    %get3A_47 = arith.constant 0 : index
    %get3A_48 = vector.load %arg8[%get3A_46, %get3A_47] : memref<512x128xf32, #tpu.memory_space<vmem>>, vector<512x128xf32>
    %broadcast_in_dim3A = arith.constant 0.000000e+00 : f32
    %broadcast_in_dim3A_49 = vector.broadcast %broadcast_in_dim3A : f32 to vector<2048x128xf32>
    %slice3A = vector.extract_strided_slice %dot_general3A_39 {offsets = [0, 0], sizes = [2048, 128], strides = [1, 1]} : vector<2048x512xf32> to vector<2048x128xf32>
    %mul3A_50 = arith.mulf %get3A_42, %slice3A : vector<2048x128xf32>
    %slice3A_51 = vector.extract_strided_slice %get3A_45 {offsets = [0, 0], sizes = [2048, 1], strides = [1, 1]} : vector<2048x4xf32> to vector<2048x1xf32>
    %mul3A_52 = vector.broadcast %slice3A_51 : vector<2048x1xf32> to vector<2048x128xf32>
    %mul3A_53 = arith.mulf %mul3A_50, %mul3A_52 : vector<2048x128xf32>
    %slice3A_54 = vector.extract_strided_slice %get3A_48 {offsets = [0, 0], sizes = [128, 128], strides = [1, 1]} : vector<512x128xf32> to vector<128x128xf32>
    %dot_general3A_55 = arith.constant dense<0.000000e+00> : vector<2048x128xf32>
    %dot_general3A_56 = tpu.matmul %mul3A_53, %slice3A_54, %dot_general3A_55 {dimension_numbers = #tpu.dot_dimension_numbers<[1], [0], [0], [1], [0, 0, 1, 1], [], []>, transpose_lhs_hint = false} : vector<2048x128xf32>, vector<128x128xf32>, vector<2048x128xf32> -> vector<2048x128xf32>
    %add3A = arith.addf %broadcast_in_dim3A_49, %dot_general3A_56 : vector<2048x128xf32>
    %slice3A_57 = vector.extract_strided_slice %dot_general3A_39 {offsets = [0, 128], sizes = [2048, 128], strides = [1, 1]} : vector<2048x512xf32> to vector<2048x128xf32>
    %mul3A_58 = arith.mulf %get3A_42, %slice3A_57 : vector<2048x128xf32>
    %slice3A_59 = vector.extract_strided_slice %get3A_45 {offsets = [0, 1], sizes = [2048, 1], strides = [1, 1]} : vector<2048x4xf32> to vector<2048x1xf32>
    %mul3A_60 = vector.broadcast %slice3A_59 : vector<2048x1xf32> to vector<2048x128xf32>
    %mul3A_61 = arith.mulf %mul3A_58, %mul3A_60 : vector<2048x128xf32>
    %slice3A_62 = vector.extract_strided_slice %get3A_48 {offsets = [128, 0], sizes = [128, 128], strides = [1, 1]} : vector<512x128xf32> to vector<128x128xf32>
    %dot_general3A_63 = arith.constant dense<0.000000e+00> : vector<2048x128xf32>
    %dot_general3A_64 = tpu.matmul %mul3A_61, %slice3A_62, %dot_general3A_63 {dimension_numbers = #tpu.dot_dimension_numbers<[1], [0], [0], [1], [0, 0, 1, 1], [], []>, transpose_lhs_hint = false} : vector<2048x128xf32>, vector<128x128xf32>, vector<2048x128xf32> -> vector<2048x128xf32>
    %add3A_65 = arith.addf %add3A, %dot_general3A_64 : vector<2048x128xf32>
    %slice3A_66 = vector.extract_strided_slice %dot_general3A_39 {offsets = [0, 256], sizes = [2048, 128], strides = [1, 1]} : vector<2048x512xf32> to vector<2048x128xf32>
    %mul3A_67 = arith.mulf %get3A_42, %slice3A_66 : vector<2048x128xf32>
    %slice3A_68 = vector.extract_strided_slice %get3A_45 {offsets = [0, 2], sizes = [2048, 1], strides = [1, 1]} : vector<2048x4xf32> to vector<2048x1xf32>
    %mul3A_69 = vector.broadcast %slice3A_68 : vector<2048x1xf32> to vector<2048x128xf32>
    %mul3A_70 = arith.mulf %mul3A_67, %mul3A_69 : vector<2048x128xf32>
    %slice3A_71 = vector.extract_strided_slice %get3A_48 {offsets = [256, 0], sizes = [128, 128], strides = [1, 1]} : vector<512x128xf32> to vector<128x128xf32>
    %dot_general3A_72 = arith.constant dense<0.000000e+00> : vector<2048x128xf32>
    %dot_general3A_73 = tpu.matmul %mul3A_70, %slice3A_71, %dot_general3A_72 {dimension_numbers = #tpu.dot_dimension_numbers<[1], [0], [0], [1], [0, 0, 1, 1], [], []>, transpose_lhs_hint = false} : vector<2048x128xf32>, vector<128x128xf32>, vector<2048x128xf32> -> vector<2048x128xf32>
    %add3A_74 = arith.addf %add3A_65, %dot_general3A_73 : vector<2048x128xf32>
    %slice3A_75 = vector.extract_strided_slice %dot_general3A_39 {offsets = [0, 384], sizes = [2048, 128], strides = [1, 1]} : vector<2048x512xf32> to vector<2048x128xf32>
    %mul3A_76 = arith.mulf %get3A_42, %slice3A_75 : vector<2048x128xf32>
    %slice3A_77 = vector.extract_strided_slice %get3A_45 {offsets = [0, 3], sizes = [2048, 1], strides = [1, 1]} : vector<2048x4xf32> to vector<2048x1xf32>
    %mul3A_78 = vector.broadcast %slice3A_77 : vector<2048x1xf32> to vector<2048x128xf32>
    %mul3A_79 = arith.mulf %mul3A_76, %mul3A_78 : vector<2048x128xf32>
    %slice3A_80 = vector.extract_strided_slice %get3A_48 {offsets = [384, 0], sizes = [128, 128], strides = [1, 1]} : vector<512x128xf32> to vector<128x128xf32>
    %dot_general3A_81 = arith.constant dense<0.000000e+00> : vector<2048x128xf32>
    %dot_general3A_82 = tpu.matmul %mul3A_79, %slice3A_80, %dot_general3A_81 {dimension_numbers = #tpu.dot_dimension_numbers<[1], [0], [0], [1], [0, 0, 1, 1], [], []>, transpose_lhs_hint = false} : vector<2048x128xf32>, vector<128x128xf32>, vector<2048x128xf32> -> vector<2048x128xf32>
    %add3A_83 = arith.addf %add3A_74, %dot_general3A_82 : vector<2048x128xf32>
    %swap3A = arith.constant 0 : index
    %swap3A_84 = arith.constant 0 : index
    %swap3A_85 = vector.load %arg9[%swap3A, %swap3A_84] : memref<2048x128xf32, #tpu.memory_space<vmem>>, vector<2048x128xf32>
    tpu.vector_store %arg9[%swap3A, %swap3A_84], %add3A_83 {strides = array<i32>} : memref<2048x128xf32, #tpu.memory_space<vmem>>, vector<2048x128xf32>,
    return
  }
  func.func @transform_0(%arg0: i32) -> (i32, i32) {
    %add3A = arith.constant 0 : i32
    %add3A_0 = arith.addi %arg0, %add3A : i32
    %c0_i32 = arith.constant 0 : i32
    %c0_i32_1 = arith.constant 0 : i32
    return %add3A_0, %c0_i32 : i32, i32
  }
  func.func @transform_1(%arg0: i32) -> (i32, i32) {
    %add3A = arith.constant 0 : i32
    %add3A_0 = arith.addi %arg0, %add3A : i32
    %c0_i32 = arith.constant 0 : i32
    %c0_i32_1 = arith.constant 0 : i32
    return %add3A_0, %c0_i32 : i32, i32
  }
  func.func @transform_2(%arg0: i32) -> (i32, i32) {
    %c0_i32 = arith.constant 0 : i32
    %c0_i32_0 = arith.constant 0 : i32
    return %arg0, %c0_i32 : i32, i32
  }
  func.func @transform_3(%arg0: i32) -> (i32, i32) {
    %c0_i32 = arith.constant 0 : i32
    %c0_i32_0 = arith.constant 0 : i32
    %c0_i32_1 = arith.constant 0 : i32
    return %c0_i32, %c0_i32_0 : i32, i32
  }
  func.func @transform_4(%arg0: i32) -> (i32, i32) {
    %c0_i32 = arith.constant 0 : i32
    %c0_i32_0 = arith.constant 0 : i32
    %c0_i32_1 = arith.constant 0 : i32
    return %c0_i32, %c0_i32_0 : i32, i32
  }
  func.func @transform_5(%arg0: i32) -> (i32, i32) {
    %c0_i32 = arith.constant 0 : i32
    %c0_i32_0 = arith.constant 0 : i32
    %c0_i32_1 = arith.constant 0 : i32
    return %c0_i32, %c0_i32_0 : i32, i32
  }
  func.func @transform_6(%arg0: i32) -> (i32, i32) {
    %c0_i32 = arith.constant 0 : i32
    %c0_i32_0 = arith.constant 0 : i32
    %c0_i32_1 = arith.constant 0 : i32
    return %c0_i32, %c0_i32_0 : i32, i32
  }
  func.func @transform_7(%arg0: i32) -> (i32, i32) {
    %c0_i32 = arith.constant 0 : i32
    %c0_i32_0 = arith.constant 0 : i32
    %c0_i32_1 = arith.constant 0 : i32
    return %c0_i32, %c0_i32_0 : i32, i32
  }
  func.func @transform_8(%arg0: i32) -> (i32, i32) {
    %c0_i32 = arith.constant 0 : i32
    %c0_i32_0 = arith.constant 0 : i32
    return %arg0, %c0_i32 : i32, i32
  }
}

module attributes {stable_mosaic.version = 14 : i64} {
  func.func @_edge_body(%arg0: i32, %arg1: memref<2048x8xf32, #tpu.memory_space<vmem>>, %arg2: memref<2048x4xf32, #tpu.memory_space<vmem>>, %arg3: memref<2048x128xf32, #tpu.memory_space<vmem>>, %arg4: memref<8x64xf32, #tpu.memory_space<vmem>>, %arg5: memref<64x64xf32, #tpu.memory_space<vmem>>, %arg6: memref<64x64xf32, #tpu.memory_space<vmem>>, %arg7: memref<64x512xf32, #tpu.memory_space<vmem>>, %arg8: memref<512x128xf32, #tpu.memory_space<vmem>>, %arg9: memref<2048x128xf32, #tpu.memory_space<vmem>>) attributes {dimension_semantics = [#tpu.dimension_semantics<arbitrary>], iteration_bounds = array<i64: 40>, scalar_prefetch = 0 : i64, scratch_operands = 0 : i64, tpu.core_type = #tpu.core_type<tc>, window_params = [{transform_indices = @transform_0, window_bounds = array<i64: 2048, 8>}, {transform_indices = @transform_1, window_bounds = array<i64: 2048, 4>}, {transform_indices = @transform_2, window_bounds = array<i64: 2048, 128>}, {pipeline_mode = #tpu.pipeline_mode<synchronous>, transform_indices = @transform_3, window_bounds = array<i64: 8, 64>}, {pipeline_mode = #tpu.pipeline_mode<synchronous>, transform_indices = @transform_4, window_bounds = array<i64: 64, 64>}, {pipeline_mode = #tpu.pipeline_mode<synchronous>, transform_indices = @transform_5, window_bounds = array<i64: 64, 64>}, {pipeline_mode = #tpu.pipeline_mode<synchronous>, transform_indices = @transform_6, window_bounds = array<i64: 64, 512>}, {pipeline_mode = #tpu.pipeline_mode<synchronous>, transform_indices = @transform_7, window_bounds = array<i64: 512, 128>}, {transform_indices = @transform_8, window_bounds = array<i64: 2048, 128>}]} {
    %get3A = arith.constant 0 : index
    %get3A_0 = arith.constant 0 : index
    %get3A_1 = vector.load %arg1[%get3A, %get3A_0] : memref<2048x8xf32, #tpu.memory_space<vmem>>, vector<2048x8xf32>
    %get3A_2 = arith.constant 0 : index
    %get3A_3 = arith.constant 0 : index
    %get3A_4 = vector.load %arg4[%get3A_2, %get3A_3] : memref<8x64xf32, #tpu.memory_space<vmem>>, vector<8x64xf32>
    %dot_general3A = arith.constant dense<0.000000e+00> : vector<2048x64xf32>
    %dot_general3A_5 = tpu.matmul %get3A_1, %get3A_4, %dot_general3A {dimension_numbers = #tpu.dot_dimension_numbers<[1], [0], [0], [1], [0, 0, 1, 1], [], []>, transpose_lhs_hint = false} : vector<2048x8xf32>, vector<8x64xf32>, vector<2048x64xf32> -> vector<2048x64xf32>
    %logistic3A = arith.negf %dot_general3A_5 : vector<2048x64xf32>
    %logistic3A_6 = math.exp %logistic3A : vector<2048x64xf32>
    %logistic3A_7 = arith.constant 1.000000e+00 : f32
    %logistic3A_8 = vector.broadcast %logistic3A_7 : f32 to vector<2048x64xf32>
    %logistic3A_9 = arith.addf %logistic3A_8, %logistic3A_6 : vector<2048x64xf32>
    %logistic3A_10 = arith.divf %logistic3A_8, %logistic3A_9 : vector<2048x64xf32>
    %mul3A = arith.mulf %dot_general3A_5, %logistic3A_10 : vector<2048x64xf32>
    %get3A_11 = arith.constant 0 : index
    %get3A_12 = arith.constant 0 : index
    %get3A_13 = vector.load %arg5[%get3A_11, %get3A_12] : memref<64x64xf32, #tpu.memory_space<vmem>>, vector<64x64xf32>
    %dot_general3A_14 = arith.constant dense<0.000000e+00> : vector<2048x64xf32>
    %dot_general3A_15 = tpu.matmul %mul3A, %get3A_13, %dot_general3A_14 {dimension_numbers = #tpu.dot_dimension_numbers<[1], [0], [0], [1], [0, 0, 1, 1], [], []>, transpose_lhs_hint = false} : vector<2048x64xf32>, vector<64x64xf32>, vector<2048x64xf32> -> vector<2048x64xf32>
    %logistic3A_16 = arith.negf %dot_general3A_15 : vector<2048x64xf32>
    %logistic3A_17 = math.exp %logistic3A_16 : vector<2048x64xf32>
    %logistic3A_18 = arith.constant 1.000000e+00 : f32
    %logistic3A_19 = vector.broadcast %logistic3A_18 : f32 to vector<2048x64xf32>
    %logistic3A_20 = arith.addf %logistic3A_19, %logistic3A_17 : vector<2048x64xf32>
    %logistic3A_21 = arith.divf %logistic3A_19, %logistic3A_20 : vector<2048x64xf32>
    %mul3A_22 = arith.mulf %dot_general3A_15, %logistic3A_21 : vector<2048x64xf32>
    %get3A_23 = arith.constant 0 : index
    %get3A_24 = arith.constant 0 : index
    %get3A_25 = vector.load %arg6[%get3A_23, %get3A_24] : memref<64x64xf32, #tpu.memory_space<vmem>>, vector<64x64xf32>
    %dot_general3A_26 = arith.constant dense<0.000000e+00> : vector<2048x64xf32>
    %dot_general3A_27 = tpu.matmul %mul3A_22, %get3A_25, %dot_general3A_26 {dimension_numbers = #tpu.dot_dimension_numbers<[1], [0], [0], [1], [0, 0, 1, 1], [], []>, transpose_lhs_hint = false} : vector<2048x64xf32>, vector<64x64xf32>, vector<2048x64xf32> -> vector<2048x64xf32>
    %logistic3A_28 = arith.negf %dot_general3A_27 : vector<2048x64xf32>
    %logistic3A_29 = math.exp %logistic3A_28 : vector<2048x64xf32>
    %logistic3A_30 = arith.constant 1.000000e+00 : f32
    %logistic3A_31 = vector.broadcast %logistic3A_30 : f32 to vector<2048x64xf32>
    %logistic3A_32 = arith.addf %logistic3A_31, %logistic3A_29 : vector<2048x64xf32>
    %logistic3A_33 = arith.divf %logistic3A_31, %logistic3A_32 : vector<2048x64xf32>
    %mul3A_34 = arith.mulf %dot_general3A_27, %logistic3A_33 : vector<2048x64xf32>
    %get3A_35 = arith.constant 0 : index
    %get3A_36 = arith.constant 0 : index
    %get3A_37 = vector.load %arg7[%get3A_35, %get3A_36] : memref<64x512xf32, #tpu.memory_space<vmem>>, vector<64x512xf32>
    %dot_general3A_38 = arith.constant dense<0.000000e+00> : vector<2048x512xf32>
    %dot_general3A_39 = tpu.matmul %mul3A_34, %get3A_37, %dot_general3A_38 {dimension_numbers = #tpu.dot_dimension_numbers<[1], [0], [0], [1], [0, 0, 1, 1], [], []>, transpose_lhs_hint = false} : vector<2048x64xf32>, vector<64x512xf32>, vector<2048x512xf32> -> vector<2048x512xf32>
    %get3A_40 = arith.constant 0 : index
    %get3A_41 = arith.constant 0 : index
    %get3A_42 = vector.load %arg3[%get3A_40, %get3A_41] : memref<2048x128xf32, #tpu.memory_space<vmem>>, vector<2048x128xf32>
    %get3A_43 = arith.constant 0 : index
    %get3A_44 = arith.constant 0 : index
    %get3A_45 = vector.load %arg2[%get3A_43, %get3A_44] : memref<2048x4xf32, #tpu.memory_space<vmem>>, vector<2048x4xf32>
    %get3A_46 = arith.constant 0 : index
    %get3A_47 = arith.constant 0 : index
    %get3A_48 = vector.load %arg8[%get3A_46, %get3A_47] : memref<512x128xf32, #tpu.memory_space<vmem>>, vector<512x128xf32>
    %broadcast_in_dim3A = arith.constant 0.000000e+00 : f32
    %broadcast_in_dim3A_49 = vector.broadcast %broadcast_in_dim3A : f32 to vector<2048x128xf32>
    %slice3A = vector.extract_strided_slice %dot_general3A_39 {offsets = [0, 0], sizes = [2048, 128], strides = [1, 1]} : vector<2048x512xf32> to vector<2048x128xf32>
    %mul3A_50 = arith.mulf %get3A_42, %slice3A : vector<2048x128xf32>
    %slice3A_51 = vector.extract_strided_slice %get3A_45 {offsets = [0, 0], sizes = [2048, 1], strides = [1, 1]} : vector<2048x4xf32> to vector<2048x1xf32>
    %mul3A_52 = vector.broadcast %slice3A_51 : vector<2048x1xf32> to vector<2048x128xf32>
    %mul3A_53 = arith.mulf %mul3A_50, %mul3A_52 : vector<2048x128xf32>
    %slice3A_54 = vector.extract_strided_slice %get3A_48 {offsets = [0, 0], sizes = [128, 128], strides = [1, 1]} : vector<512x128xf32> to vector<128x128xf32>
    %dot_general3A_55 = arith.constant dense<0.000000e+00> : vector<2048x128xf32>
    %dot_general3A_56 = tpu.matmul %mul3A_53, %slice3A_54, %dot_general3A_55 {dimension_numbers = #tpu.dot_dimension_numbers<[1], [0], [0], [1], [0, 0, 1, 1], [], []>, transpose_lhs_hint = false} : vector<2048x128xf32>, vector<128x128xf32>, vector<2048x128xf32> -> vector<2048x128xf32>
    %add3A = arith.addf %broadcast_in_dim3A_49, %dot_general3A_56 : vector<2048x128xf32>
    %slice3A_57 = vector.extract_strided_slice %dot_general3A_39 {offsets = [0, 128], sizes = [2048, 128], strides = [1, 1]} : vector<2048x512xf32> to vector<2048x128xf32>
    %mul3A_58 = arith.mulf %get3A_42, %slice3A_57 : vector<2048x128xf32>
    %slice3A_59 = vector.extract_strided_slice %get3A_45 {offsets = [0, 1], sizes = [2048, 1], strides = [1, 1]} : vector<2048x4xf32> to vector<2048x1xf32>
    %mul3A_60 = vector.broadcast %slice3A_59 : vector<2048x1xf32> to vector<2048x128xf32>
    %mul3A_61 = arith.mulf %mul3A_58, %mul3A_60 : vector<2048x128xf32>
    %slice3A_62 = vector.extract_strided_slice %get3A_48 {offsets = [128, 0], sizes = [128, 128], strides = [1, 1]} : vector<512x128xf32> to vector<128x128xf32>
    %dot_general3A_63 = arith.constant dense<0.000000e+00> : vector<2048x128xf32>
    %dot_general3A_64 = tpu.matmul %mul3A_61, %slice3A_62, %dot_general3A_63 {dimension_numbers = #tpu.dot_dimension_numbers<[1], [0], [0], [1], [0, 0, 1, 1], [], []>, transpose_lhs_hint = false} : vector<2048x128xf32>, vector<128x128xf32>, vector<2048x128xf32> -> vector<2048x128xf32>
    %add3A_65 = arith.addf %add3A, %dot_general3A_64 : vector<2048x128xf32>
    %slice3A_66 = vector.extract_strided_slice %dot_general3A_39 {offsets = [0, 256], sizes = [2048, 128], strides = [1, 1]} : vector<2048x512xf32> to vector<2048x128xf32>
    %mul3A_67 = arith.mulf %get3A_42, %slice3A_66 : vector<2048x128xf32>
    %slice3A_68 = vector.extract_strided_slice %get3A_45 {offsets = [0, 2], sizes = [2048, 1], strides = [1, 1]} : vector<2048x4xf32> to vector<2048x1xf32>
    %mul3A_69 = vector.broadcast %slice3A_68 : vector<2048x1xf32> to vector<2048x128xf32>
    %mul3A_70 = arith.mulf %mul3A_67, %mul3A_69 : vector<2048x128xf32>
    %slice3A_71 = vector.extract_strided_slice %get3A_48 {offsets = [256, 0], sizes = [128, 128], strides = [1, 1]} : vector<512x128xf32> to vector<128x128xf32>
    %dot_general3A_72 = arith.constant dense<0.000000e+00> : vector<2048x128xf32>
    %dot_general3A_73 = tpu.matmul %mul3A_70, %slice3A_71, %dot_general3A_72 {dimension_numbers = #tpu.dot_dimension_numbers<[1], [0], [0], [1], [0, 0, 1, 1], [], []>, transpose_lhs_hint = false} : vector<2048x128xf32>, vector<128x128xf32>, vector<2048x128xf32> -> vector<2048x128xf32>
    %add3A_74 = arith.addf %add3A_65, %dot_general3A_73 : vector<2048x128xf32>
    %slice3A_75 = vector.extract_strided_slice %dot_general3A_39 {offsets = [0, 384], sizes = [2048, 128], strides = [1, 1]} : vector<2048x512xf32> to vector<2048x128xf32>
    %mul3A_76 = arith.mulf %get3A_42, %slice3A_75 : vector<2048x128xf32>
    %slice3A_77 = vector.extract_strided_slice %get3A_45 {offsets = [0, 3], sizes = [2048, 1], strides = [1, 1]} : vector<2048x4xf32> to vector<2048x1xf32>
    %mul3A_78 = vector.broadcast %slice3A_77 : vector<2048x1xf32> to vector<2048x128xf32>
    %mul3A_79 = arith.mulf %mul3A_76, %mul3A_78 : vector<2048x128xf32>
    %slice3A_80 = vector.extract_strided_slice %get3A_48 {offsets = [384, 0], sizes = [128, 128], strides = [1, 1]} : vector<512x128xf32> to vector<128x128xf32>
    %dot_general3A_81 = arith.constant dense<0.000000e+00> : vector<2048x128xf32>
    %dot_general3A_82 = tpu.matmul %mul3A_79, %slice3A_80, %dot_general3A_81 {dimension_numbers = #tpu.dot_dimension_numbers<[1], [0], [0], [1], [0, 0, 1, 1], [], []>, transpose_lhs_hint = false} : vector<2048x128xf32>, vector<128x128xf32>, vector<2048x128xf32> -> vector<2048x128xf32>
    %add3A_83 = arith.addf %add3A_74, %dot_general3A_82 : vector<2048x128xf32>
    %swap3A = arith.constant 0 : index
    %swap3A_84 = arith.constant 0 : index
    %swap3A_85 = vector.load %arg9[%swap3A, %swap3A_84] : memref<2048x128xf32, #tpu.memory_space<vmem>>, vector<2048x128xf32>
    tpu.vector_store %arg9[%swap3A, %swap3A_84], %add3A_83 {strides = array<i32>} : memref<2048x128xf32, #tpu.memory_space<vmem>>, vector<2048x128xf32>,
    return
  }
  func.func @transform_0(%arg0: i32) -> (i32, i32) {
    %add3A = arith.constant 40 : i32
    %add3A_0 = arith.addi %arg0, %add3A : i32
    %c0_i32 = arith.constant 0 : i32
    %c0_i32_1 = arith.constant 0 : i32
    return %add3A_0, %c0_i32 : i32, i32
  }
  func.func @transform_1(%arg0: i32) -> (i32, i32) {
    %add3A = arith.constant 40 : i32
    %add3A_0 = arith.addi %arg0, %add3A : i32
    %c0_i32 = arith.constant 0 : i32
    %c0_i32_1 = arith.constant 0 : i32
    return %add3A_0, %c0_i32 : i32, i32
  }
  func.func @transform_2(%arg0: i32) -> (i32, i32) {
    %c0_i32 = arith.constant 0 : i32
    %c0_i32_0 = arith.constant 0 : i32
    return %arg0, %c0_i32 : i32, i32
  }
  func.func @transform_3(%arg0: i32) -> (i32, i32) {
    %c0_i32 = arith.constant 0 : i32
    %c0_i32_0 = arith.constant 0 : i32
    %c0_i32_1 = arith.constant 0 : i32
    return %c0_i32, %c0_i32_0 : i32, i32
  }
  func.func @transform_4(%arg0: i32) -> (i32, i32) {
    %c0_i32 = arith.constant 0 : i32
    %c0_i32_0 = arith.constant 0 : i32
    %c0_i32_1 = arith.constant 0 : i32
    return %c0_i32, %c0_i32_0 : i32, i32
  }
  func.func @transform_5(%arg0: i32) -> (i32, i32) {
    %c0_i32 = arith.constant 0 : i32
    %c0_i32_0 = arith.constant 0 : i32
    %c0_i32_1 = arith.constant 0 : i32
    return %c0_i32, %c0_i32_0 : i32, i32
  }
  func.func @transform_6(%arg0: i32) -> (i32, i32) {
    %c0_i32 = arith.constant 0 : i32
    %c0_i32_0 = arith.constant 0 : i32
    %c0_i32_1 = arith.constant 0 : i32
    return %c0_i32, %c0_i32_0 : i32, i32
  }
  func.func @transform_7(%arg0: i32) -> (i32, i32) {
    %c0_i32 = arith.constant 0 : i32
    %c0_i32_0 = arith.constant 0 : i32
    %c0_i32_1 = arith.constant 0 : i32
    return %c0_i32, %c0_i32_0 : i32, i32
  }
  func.func @transform_8(%arg0: i32) -> (i32, i32) {
    %c0_i32 = arith.constant 0 : i32
    %c0_i32_0 = arith.constant 0 : i32
    return %arg0, %c0_i32 : i32, i32
  }
}

module attributes {stable_mosaic.version = 14 : i64} {
  func.func @_out_body(%arg0: i32, %arg1: memref<2x1024x128xf32, #tpu.memory_space<vmem>>, %arg2: memref<1024x10xf32, #tpu.memory_space<vmem>>, %arg3: memref<1280x128xf32, #tpu.memory_space<vmem>>, %arg4: memref<1024x128xf32, #tpu.memory_space<vmem>>) attributes {dimension_semantics = [#tpu.dimension_semantics<arbitrary>], iteration_bounds = array<i64: 10>, scalar_prefetch = 0 : i64, scratch_operands = 0 : i64, tpu.core_type = #tpu.core_type<tc>, window_params = [{transform_indices = @transform_0, window_bounds = array<i64: 2, 1024, 128>}, {transform_indices = @transform_1, window_bounds = array<i64: 1024, 10>}, {pipeline_mode = #tpu.pipeline_mode<synchronous>, transform_indices = @transform_2, window_bounds = array<i64: 1280, 128>}, {transform_indices = @transform_3, window_bounds = array<i64: 1024, 128>}]} {
    %get3A = arith.constant 0 : index
    %get3A_0 = arith.constant 0 : index
    %get3A_1 = arith.constant 0 : index
    %get3A_2 = vector.load %arg1[%get3A, %get3A_0, %get3A_1] : memref<2x1024x128xf32, #tpu.memory_space<vmem>>, vector<1x1024x128xf32>
    %get3A_3 = vector.shape_cast %get3A_2 : vector<1x1024x128xf32> to vector<1024x128xf32>
    %get3A_4 = arith.constant 1 : index
    %get3A_5 = arith.constant 0 : index
    %get3A_6 = arith.constant 0 : index
    %get3A_7 = vector.load %arg1[%get3A_4, %get3A_5, %get3A_6] : memref<2x1024x128xf32, #tpu.memory_space<vmem>>, vector<1x1024x128xf32>
    %get3A_8 = vector.shape_cast %get3A_7 : vector<1x1024x128xf32> to vector<1024x128xf32>
    %add3A = arith.addf %get3A_3, %get3A_8 : vector<1024x128xf32>
    %get3A_9 = arith.constant 0 : index
    %get3A_10 = arith.constant 0 : index
    %get3A_11 = vector.load %arg2[%get3A_9, %get3A_10] : memref<1024x10xf32, #tpu.memory_space<vmem>>, vector<1024x10xf32>
    %get3A_12 = arith.constant 0 : index
    %get3A_13 = arith.constant 0 : index
    %get3A_14 = vector.load %arg3[%get3A_12, %get3A_13] : memref<1280x128xf32, #tpu.memory_space<vmem>>, vector<1280x128xf32>
    %broadcast_in_dim3A = arith.constant 0.000000e+00 : f32
    %broadcast_in_dim3A_15 = vector.broadcast %broadcast_in_dim3A : f32 to vector<1024x128xf32>
    %slice3A = vector.extract_strided_slice %get3A_11 {offsets = [0, 0], sizes = [1024, 1], strides = [1, 1]} : vector<1024x10xf32> to vector<1024x1xf32>
    %mul3A = vector.broadcast %slice3A : vector<1024x1xf32> to vector<1024x128xf32>
    %mul3A_16 = arith.mulf %add3A, %mul3A : vector<1024x128xf32>
    %slice3A_17 = vector.extract_strided_slice %get3A_14 {offsets = [0, 0], sizes = [128, 128], strides = [1, 1]} : vector<1280x128xf32> to vector<128x128xf32>
    %dot_general3A = arith.constant dense<0.000000e+00> : vector<1024x128xf32>
    %dot_general3A_18 = tpu.matmul %mul3A_16, %slice3A_17, %dot_general3A {dimension_numbers = #tpu.dot_dimension_numbers<[1], [0], [0], [1], [0, 0, 1, 1], [], []>, transpose_lhs_hint = false} : vector<1024x128xf32>, vector<128x128xf32>, vector<1024x128xf32> -> vector<1024x128xf32>
    %add3A_19 = arith.addf %broadcast_in_dim3A_15, %dot_general3A_18 : vector<1024x128xf32>
    %slice3A_20 = vector.extract_strided_slice %get3A_11 {offsets = [0, 1], sizes = [1024, 1], strides = [1, 1]} : vector<1024x10xf32> to vector<1024x1xf32>
    %mul3A_21 = vector.broadcast %slice3A_20 : vector<1024x1xf32> to vector<1024x128xf32>
    %mul3A_22 = arith.mulf %add3A, %mul3A_21 : vector<1024x128xf32>
    %slice3A_23 = vector.extract_strided_slice %get3A_14 {offsets = [128, 0], sizes = [128, 128], strides = [1, 1]} : vector<1280x128xf32> to vector<128x128xf32>
    %dot_general3A_24 = arith.constant dense<0.000000e+00> : vector<1024x128xf32>
    %dot_general3A_25 = tpu.matmul %mul3A_22, %slice3A_23, %dot_general3A_24 {dimension_numbers = #tpu.dot_dimension_numbers<[1], [0], [0], [1], [0, 0, 1, 1], [], []>, transpose_lhs_hint = false} : vector<1024x128xf32>, vector<128x128xf32>, vector<1024x128xf32> -> vector<1024x128xf32>
    %add3A_26 = arith.addf %add3A_19, %dot_general3A_25 : vector<1024x128xf32>
    %slice3A_27 = vector.extract_strided_slice %get3A_11 {offsets = [0, 2], sizes = [1024, 1], strides = [1, 1]} : vector<1024x10xf32> to vector<1024x1xf32>
    %mul3A_28 = vector.broadcast %slice3A_27 : vector<1024x1xf32> to vector<1024x128xf32>
    %mul3A_29 = arith.mulf %add3A, %mul3A_28 : vector<1024x128xf32>
    %slice3A_30 = vector.extract_strided_slice %get3A_14 {offsets = [256, 0], sizes = [128, 128], strides = [1, 1]} : vector<1280x128xf32> to vector<128x128xf32>
    %dot_general3A_31 = arith.constant dense<0.000000e+00> : vector<1024x128xf32>
    %dot_general3A_32 = tpu.matmul %mul3A_29, %slice3A_30, %dot_general3A_31 {dimension_numbers = #tpu.dot_dimension_numbers<[1], [0], [0], [1], [0, 0, 1, 1], [], []>, transpose_lhs_hint = false} : vector<1024x128xf32>, vector<128x128xf32>, vector<1024x128xf32> -> vector<1024x128xf32>
    %add3A_33 = arith.addf %add3A_26, %dot_general3A_32 : vector<1024x128xf32>
    %slice3A_34 = vector.extract_strided_slice %get3A_11 {offsets = [0, 3], sizes = [1024, 1], strides = [1, 1]} : vector<1024x10xf32> to vector<1024x1xf32>
    %mul3A_35 = vector.broadcast %slice3A_34 : vector<1024x1xf32> to vector<1024x128xf32>
    %mul3A_36 = arith.mulf %add3A, %mul3A_35 : vector<1024x128xf32>
    %slice3A_37 = vector.extract_strided_slice %get3A_14 {offsets = [384, 0], sizes = [128, 128], strides = [1, 1]} : vector<1280x128xf32> to vector<128x128xf32>
    %dot_general3A_38 = arith.constant dense<0.000000e+00> : vector<1024x128xf32>
    %dot_general3A_39 = tpu.matmul %mul3A_36, %slice3A_37, %dot_general3A_38 {dimension_numbers = #tpu.dot_dimension_numbers<[1], [0], [0], [1], [0, 0, 1, 1], [], []>, transpose_lhs_hint = false} : vector<1024x128xf32>, vector<128x128xf32>, vector<1024x128xf32> -> vector<1024x128xf32>
    %add3A_40 = arith.addf %add3A_33, %dot_general3A_39 : vector<1024x128xf32>
    %slice3A_41 = vector.extract_strided_slice %get3A_11 {offsets = [0, 4], sizes = [1024, 1], strides = [1, 1]} : vector<1024x10xf32> to vector<1024x1xf32>
    %mul3A_42 = vector.broadcast %slice3A_41 : vector<1024x1xf32> to vector<1024x128xf32>
    %mul3A_43 = arith.mulf %add3A, %mul3A_42 : vector<1024x128xf32>
    %slice3A_44 = vector.extract_strided_slice %get3A_14 {offsets = [512, 0], sizes = [128, 128], strides = [1, 1]} : vector<1280x128xf32> to vector<128x128xf32>
    %dot_general3A_45 = arith.constant dense<0.000000e+00> : vector<1024x128xf32>
    %dot_general3A_46 = tpu.matmul %mul3A_43, %slice3A_44, %dot_general3A_45 {dimension_numbers = #tpu.dot_dimension_numbers<[1], [0], [0], [1], [0, 0, 1, 1], [], []>, transpose_lhs_hint = false} : vector<1024x128xf32>, vector<128x128xf32>, vector<1024x128xf32> -> vector<1024x128xf32>
    %add3A_47 = arith.addf %add3A_40, %dot_general3A_46 : vector<1024x128xf32>
    %slice3A_48 = vector.extract_strided_slice %get3A_11 {offsets = [0, 5], sizes = [1024, 1], strides = [1, 1]} : vector<1024x10xf32> to vector<1024x1xf32>
    %mul3A_49 = vector.broadcast %slice3A_48 : vector<1024x1xf32> to vector<1024x128xf32>
    %mul3A_50 = arith.mulf %add3A, %mul3A_49 : vector<1024x128xf32>
    %slice3A_51 = vector.extract_strided_slice %get3A_14 {offsets = [640, 0], sizes = [128, 128], strides = [1, 1]} : vector<1280x128xf32> to vector<128x128xf32>
    %dot_general3A_52 = arith.constant dense<0.000000e+00> : vector<1024x128xf32>
    %dot_general3A_53 = tpu.matmul %mul3A_50, %slice3A_51, %dot_general3A_52 {dimension_numbers = #tpu.dot_dimension_numbers<[1], [0], [0], [1], [0, 0, 1, 1], [], []>, transpose_lhs_hint = false} : vector<1024x128xf32>, vector<128x128xf32>, vector<1024x128xf32> -> vector<1024x128xf32>
    %add3A_54 = arith.addf %add3A_47, %dot_general3A_53 : vector<1024x128xf32>
    %slice3A_55 = vector.extract_strided_slice %get3A_11 {offsets = [0, 6], sizes = [1024, 1], strides = [1, 1]} : vector<1024x10xf32> to vector<1024x1xf32>
    %mul3A_56 = vector.broadcast %slice3A_55 : vector<1024x1xf32> to vector<1024x128xf32>
    %mul3A_57 = arith.mulf %add3A, %mul3A_56 : vector<1024x128xf32>
    %slice3A_58 = vector.extract_strided_slice %get3A_14 {offsets = [768, 0], sizes = [128, 128], strides = [1, 1]} : vector<1280x128xf32> to vector<128x128xf32>
    %dot_general3A_59 = arith.constant dense<0.000000e+00> : vector<1024x128xf32>
    %dot_general3A_60 = tpu.matmul %mul3A_57, %slice3A_58, %dot_general3A_59 {dimension_numbers = #tpu.dot_dimension_numbers<[1], [0], [0], [1], [0, 0, 1, 1], [], []>, transpose_lhs_hint = false} : vector<1024x128xf32>, vector<128x128xf32>, vector<1024x128xf32> -> vector<1024x128xf32>
    %add3A_61 = arith.addf %add3A_54, %dot_general3A_60 : vector<1024x128xf32>
    %slice3A_62 = vector.extract_strided_slice %get3A_11 {offsets = [0, 7], sizes = [1024, 1], strides = [1, 1]} : vector<1024x10xf32> to vector<1024x1xf32>
    %mul3A_63 = vector.broadcast %slice3A_62 : vector<1024x1xf32> to vector<1024x128xf32>
    %mul3A_64 = arith.mulf %add3A, %mul3A_63 : vector<1024x128xf32>
    %slice3A_65 = vector.extract_strided_slice %get3A_14 {offsets = [896, 0], sizes = [128, 128], strides = [1, 1]} : vector<1280x128xf32> to vector<128x128xf32>
    %dot_general3A_66 = arith.constant dense<0.000000e+00> : vector<1024x128xf32>
    %dot_general3A_67 = tpu.matmul %mul3A_64, %slice3A_65, %dot_general3A_66 {dimension_numbers = #tpu.dot_dimension_numbers<[1], [0], [0], [1], [0, 0, 1, 1], [], []>, transpose_lhs_hint = false} : vector<1024x128xf32>, vector<128x128xf32>, vector<1024x128xf32> -> vector<1024x128xf32>
    %add3A_68 = arith.addf %add3A_61, %dot_general3A_67 : vector<1024x128xf32>
    %slice3A_69 = vector.extract_strided_slice %get3A_11 {offsets = [0, 8], sizes = [1024, 1], strides = [1, 1]} : vector<1024x10xf32> to vector<1024x1xf32>
    %mul3A_70 = vector.broadcast %slice3A_69 : vector<1024x1xf32> to vector<1024x128xf32>
    %mul3A_71 = arith.mulf %add3A, %mul3A_70 : vector<1024x128xf32>
    %slice3A_72 = vector.extract_strided_slice %get3A_14 {offsets = [1024, 0], sizes = [128, 128], strides = [1, 1]} : vector<1280x128xf32> to vector<128x128xf32>
    %dot_general3A_73 = arith.constant dense<0.000000e+00> : vector<1024x128xf32>
    %dot_general3A_74 = tpu.matmul %mul3A_71, %slice3A_72, %dot_general3A_73 {dimension_numbers = #tpu.dot_dimension_numbers<[1], [0], [0], [1], [0, 0, 1, 1], [], []>, transpose_lhs_hint = false} : vector<1024x128xf32>, vector<128x128xf32>, vector<1024x128xf32> -> vector<1024x128xf32>
    %add3A_75 = arith.addf %add3A_68, %dot_general3A_74 : vector<1024x128xf32>
    %slice3A_76 = vector.extract_strided_slice %get3A_11 {offsets = [0, 9], sizes = [1024, 1], strides = [1, 1]} : vector<1024x10xf32> to vector<1024x1xf32>
    %mul3A_77 = vector.broadcast %slice3A_76 : vector<1024x1xf32> to vector<1024x128xf32>
    %mul3A_78 = arith.mulf %add3A, %mul3A_77 : vector<1024x128xf32>
    %slice3A_79 = vector.extract_strided_slice %get3A_14 {offsets = [1152, 0], sizes = [128, 128], strides = [1, 1]} : vector<1280x128xf32> to vector<128x128xf32>
    %dot_general3A_80 = arith.constant dense<0.000000e+00> : vector<1024x128xf32>
    %dot_general3A_81 = tpu.matmul %mul3A_78, %slice3A_79, %dot_general3A_80 {dimension_numbers = #tpu.dot_dimension_numbers<[1], [0], [0], [1], [0, 0, 1, 1], [], []>, transpose_lhs_hint = false} : vector<1024x128xf32>, vector<128x128xf32>, vector<1024x128xf32> -> vector<1024x128xf32>
    %add3A_82 = arith.addf %add3A_75, %dot_general3A_81 : vector<1024x128xf32>
    %swap3A = arith.constant 0 : index
    %swap3A_83 = arith.constant 0 : index
    %swap3A_84 = vector.load %arg4[%swap3A, %swap3A_83] : memref<1024x128xf32, #tpu.memory_space<vmem>>, vector<1024x128xf32>
    tpu.vector_store %arg4[%swap3A, %swap3A_83], %add3A_82 {strides = array<i32>} : memref<1024x128xf32, #tpu.memory_space<vmem>>, vector<1024x128xf32>,
    return
  }
  func.func @transform_0(%arg0: i32) -> (i32, i32, i32) {
    %c0_i32 = arith.constant 0 : i32
    %c0_i32_0 = arith.constant 0 : i32
    %c0_i32_1 = arith.constant 0 : i32
    return %c0_i32, %arg0, %c0_i32_0 : i32, i32, i32
  }
  func.func @transform_1(%arg0: i32) -> (i32, i32) {
    %c0_i32 = arith.constant 0 : i32
    %c0_i32_0 = arith.constant 0 : i32
    return %arg0, %c0_i32 : i32, i32
  }
  func.func @transform_2(%arg0: i32) -> (i32, i32) {
    %c0_i32 = arith.constant 0 : i32
    %c0_i32_0 = arith.constant 0 : i32
    %c0_i32_1 = arith.constant 0 : i32
    return %c0_i32, %c0_i32_0 : i32, i32
  }
  func.func @transform_3(%arg0: i32) -> (i32, i32) {
    %c0_i32 = arith.constant 0 : i32
    %c0_i32_0 = arith.constant 0 : i32
    return %arg0, %c0_i32 : i32, i32
  }
}

</mosaic_0001>

<sc_bundles>
// kernel: kernel.10.cloned.1.call-start
scs
__scs_entry_jumppad:
0x0: {  	(pc) =	sbr.rel $0x88, $3  }
0x1: {  	(tag) =	ssettag $0x0;
	lr =	simm.s32 $0x1  }
0x2: {  	[smem:$0x3F95] =	sst lr;
	_ =	strace $0xD0000000  }
0x3: {  	_ = 	snop  }
0x4: {  	_ = 	snop  }
0x5: {  	_ = 	snop  }
0x6: {  	_ = 	snop  }
0x7: {  	_ = 	snop  }
__scs_overlays_trampoline_lowered:
0x8: {  	[smem:$0x3FA4] =	sst s0  }
0x9: {  	[smem:$0x3FA5] =	sst s1  }
0xa: {  	[smem:$0x3FA6] =	sst s2  }
0xb: {  	[smem:$0x3FA7] =	sst s3  }
0xc: {  	[smem:$0x3FA8] =	sst s4  }
0xd: {  	[smem:$0x3FA9] =	sst s5  }
0xe: {  	[smem:$0x3FAA] =	sst s6  }
0xf: {  	[smem:$0x3FAB] =	sst s7  }
0x10: {  	[smem:$0x3FAC] =	sst s8  }
0x11: {  	[smem:$0x3FAD] =	sst s9;
	s0 =	simm.s32 @!p0 $0x0  }
0x12: {  	s1 =	sld [smem:$0x3F93];
	s0 =	simm.s32 @p0 $0x1  }
0x13: {  	[smem:$0x3FAE] =	sst s0;
	s0 =	simm.s32 @!p1 $0x0  }
0x14: {  	s2 =	sld [smem:$0x3F92];
	s0 =	simm.s32 @p1 $0x1  }
0x15: {  	[smem:$0x3FAF] =	sst s0;
	s0 =	simm.s32 @!p2 $0x0  }
0x16: {  	s3 =	sld [smem:$0x3FDB];
	s0 =	simm.s32 @p2 $0x1  }
0x17: {  	s4 =	simm.s32 $0x1BF5;
	[smem:$0x3FB1] =	sst s0  }
0x18: {  	s0 =	sld [smem:$0x3F94];
	_ =	swait.ge [sflag:s4], $0x0  }
0x19: {  	s7 =	sld [smem:$0x3F95]  }
0x1a: {  	s8 =	sadd.s32 $0xFFFFE003, lr  }
0x1b: {  	s9 =	sadd.s32 $0xFFFFFEF7, lr;
	s5 =	simm.s32 $0xFFFFFFFF;
	p2 =	slt.u32 s8, $0xFFFFF086  }
0x1c: {  	p1 =	slt.u32 s9, $0xF7A;
	s5 =	simm.s32 @!p2 $0x0  }
0x1d: {  	s5 =	simm.s32 @p1 $0x1;
	p0 =	seq.s32 s7, s2  }
0x1e: {  	s7 =	smul.u32 @!p0 $0xF7A, s2;
	p2 =	seq.s32 @!p0 s5, $0x0  }
0x1f: {  	s9 =	smul.u32 $0xF7A, s1;
	s8 =	simm.s32 @!p0 $0x1BF5;
	p2 =	por !p2, p0  }
0x20: {  	[sflag:s8] =	ssyncset.s32 @!p0 $0xFFFFF086;
	s6 =	sadd.s32 @!p0 s3, s7;
	s7 =	simm.s32 @!p0 $0x108  }
0x21: {  	s3 =	sadd.s32 s3, s9;
	s6 =	sadd.s32 @!p0 $0x88, s6;
	s7 =	simm.s32 @p2 $0x1082  }
0x22: {  	[simem:s7], [sflag:s8] =	dma.local @!p0 [hbm:s6], $0xF7A  }
0x23: {  	s9 =	sor.u32 $0xD0000000, s2;
	s6 =	simm.s32 $0x108;
	_ =	swait.ge @!p0 [sflag:s8], $0x0  }
0x24: {  	s3 =	sadd.s32 $0x88, s3;
	s6 =	simm.s32 @!p1 $0x1082;
	[sflag:s4] =	ssyncset.s32 $0xFFFFF086  }
0x25: {  	[simem:s6], [sflag:s4] =	dma.local [hbm:s3], $0xF7A  }
0x26: {  	[smem:$0x3F95] =	sst s1;
	(tag) =	ssettag s2;
	_ =	strace s9  }
0x27: {  	s1 =	sld [smem:$0x3FA5]  }
0x28: {  	s2 =	sld [smem:$0x3FA6]  }
0x29: {  	s4 =	sld [smem:$0x3FA8]  }
0x2a: {  	p0 =	seq.s32 s5, $0x0;
	s5 =	sld [smem:$0x3FA9]  }
0x2b: {  	s6 =	sld [smem:$0x3FAA]  }
0x2c: {  	s7 =	sld [smem:$0x3FAB]  }
0x2d: {  	s3 =	simm.s32 $0x108;
	s8 =	sld [smem:$0x3FAC]  }
0x2e: {  	s3 =	simm.s32 @!p0 $0x1082;
	s9 =	sld [smem:$0x3FAD]  }
0x2f: {  	lr =	sadd.s32 s0, s3;
	s0 =	sld [smem:$0x3FA4]  }
0x30: {  	s3 =	sld [smem:$0x3FA7]  }
0x31: {  	[smem:$0x3FB0] =	sst s10  }
0x32: {  	s10 =	sld [smem:$0x3FAE];
	_ =	sdelay $0x3  }
0x33: {  	p0 =	seq.s32 s10, $0x1;
	s10 =	sld [smem:$0x3FB0];
	_ =	sdelay $0x3  }
0x34: {  	[smem:$0x3FB0] =	sst s10  }
0x35: {  	s10 =	sld [smem:$0x3FAF];
	_ =	sdelay $0x3  }
0x36: {  	p1 =	seq.s32 s10, $0x1;
	s10 =	sld [smem:$0x3FB0];
	_ =	sdelay $0x3  }
0x37: {  	[smem:$0x3FB0] =	sst s10  }
0x38: {  	s10 =	sld [smem:$0x3FB1]  }
0x39: {  	_ = 	snop;
	(pc) =	sbr.ind lr, $3  }
0x3a: {  	_ = 	snop  }
0x3b: {  	_ = 	snop  }
0x3c: {  	p2 =	seq.s32 s10, $0x1;
	s10 =	sld [smem:$0x3FB0]  }
0x3d: {  	_ =	shalt  }
0x3e: {  	_ =	shalt  }
0x3f: {  	_ =	shalt  }
0x40: {  	_ =	shalt  }
0x41: {  	_ =	shalt  }
0x42: {  	_ =	shalt  }
0x43: {  	_ =	shalt  }
0x44: {  	_ =	shalt  }
0x45: {  	_ =	shalt  }
0x46: {  	_ =	shalt  }
0x47: {  	_ =	shalt  }
0x48: {  	_ =	shalt  }
0x49: {  	_ =	shalt  }
0x4a: {  	_ =	shalt  }
0x4b: {  	_ =	shalt  }
0x4c: {  	_ =	shalt  }
0x4d: {  	_ =	shalt  }
0x4e: {  	_ =	shalt  }
0x4f: {  	_ =	shalt  }
0x50: {  	_ =	shalt  }
0x51: {  	_ =	shalt  }
0x52: {  	_ =	shalt  }
0x53: {  	_ =	shalt  }
0x54: {  	_ =	shalt  }
0x55: {  	_ =	shalt  }
0x56: {  	_ =	shalt  }
0x57: {  	_ =	shalt  }
0x58: {  	_ =	shalt  }
0x59: {  	_ =	shalt  }
0x5a: {  	_ =	shalt  }
0x5b: {  	_ =	shalt  }
0x5c: {  	_ =	shalt  }
0x5d: {  	_ =	shalt  }
0x5e: {  	_ =	shalt  }
0x5f: {  	_ =	shalt  }
0x60: {  	_ =	shalt  }
0x61: {  	_ =	shalt  }
0x62: {  	_ =	shalt  }
0x63: {  	_ =	shalt  }
0x64: {  	_ =	shalt  }
0x65: {  	_ =	shalt  }
0x66: {  	_ =	shalt  }
0x67: {  	_ =	shalt  }
0x68: {  	_ =	shalt  }
0x69: {  	_ =	shalt  }
0x6a: {  	_ =	shalt  }
0x6b: {  	_ =	shalt  }
0x6c: {  	_ =	shalt  }
0x6d: {  	_ =	shalt  }
0x6e: {  	_ =	shalt  }
0x6f: {  	_ =	shalt  }
0x70: {  	_ =	shalt  }
0x71: {  	_ =	shalt  }
0x72: {  	_ =	shalt  }
0x73: {  	_ =	shalt  }
0x74: {  	_ =	shalt  }
0x75: {  	_ =	shalt  }
0x76: {  	_ =	shalt  }
0x77: {  	_ =	shalt  }
0x78: {  	_ =	shalt  }
0x79: {  	_ =	shalt  }
0x7a: {  	_ =	shalt  }
0x7b: {  	_ =	shalt  }
0x7c: {  	_ =	shalt  }
0x7d: {  	_ =	shalt  }
0x7e: {  	_ =	shalt  }
0x7f: {  	_ =	shalt  }
0x80: {  	_ =	shalt  }
0x81: {  	_ =	shalt  }
0x82: {  	_ =	shalt  }
0x83: {  	_ =	shalt  }
0x84: {  	_ =	shalt  }
0x85: {  	_ =	shalt  }
0x86: {  	_ =	shalt  }
0x87: {  	_ =	shalt  }
.Lfunc_end0:
.L_simem_size_0:
called_computation_lowered:
.L_overlay_start_0:
0x88: {  	s2 =	sld [smem:$0x3FD9]  }
0x89: {  	s3 =	sld [smem:$0x3FFE];
	_ =	sdelay $0x1  }
0x8a: {  	s1 =	srdreg.scid  }
0x8b: {  	s0 =	sand.u32 $0x1, s1  }
0x8c: {  	s17 =	sshll.u32 s0, $0xA;
	s2 =	sadd.s32 s3, s2  }
0x8d: {  	s2 =	sadd.s32 s2, s17  }
0x8e: {  	[smem:$0x3FBC] =	sst s2  }
0x8f: {  	_ = 	snop  }
0x90: {  	s2 =	sld [smem:$0x3FD0];
	(tm) =	ssettm $0x1  }
0x91: {  	s18 =	sld [smem:$0x3FFB];
	_ =	sdelay $0x3  }
0x92: {  	_ =	strace s18  }
0x93: {  	s3 =	sld [smem:$0x3FFC];
	_ =	sdelay $0x3  }
0x94: {  	_ =	strace s3  }
0x95: {  	s3 =	sld [smem:$0x3FFD];
	_ =	sdelay $0x3  }
0x96: {  	_ =	strace s3  }
0x97: {  	_ =	strace $0x8FFFFFFF  }
0x98: {  	s19 =	sld [smem:$0x3FDB];
	_ =	sdelay $0x1  }
0x99: {  	s4 =	simm.s32 $_scs_section_size  }
0x9a: {  	s5 =	simm.s32 $_size__tile_overlayer_lowered;
	s6 =	simm.s32 $_tile_overlayer_lowered  }
0x9b: {  	s22 =	simm.s32 $0x1BFF;
	s21 =	sshll.u32 s6, $0x1;
	s3 =	sadd.s32 s4, s19  }
0x9c: {  	s7 =	simm.s32 $0x0;
	s20 =	sshll.u32 s5, $0x1;
	s5 =	sadd.s32 s21, s3  }
0x9d: {  	[timem:s7], [sflag:s22] =	dma.local [hbm:s5], s20  }
0x9e: {  	_ =	swait.ge [sflag:s22], s20  }
0x9f: {  	s4 =	ssub.s32 $0x0, s20;
	[sflag:s22] =	ssyncset.done $0x0  }
0xa0: {  	[sflag:s22] =	ssyncadd.s32 s4;
	_ =	sdelay $0x1  }
0xa1: {  	s23 =	simm.s32 $0x1B8B  }
0xa2: {  	_ =	swait.ge [sflag:s23], $0x1  }
0xa3: {  	[sflag:s23] =	ssyncset.done $0x0  }
0xa4: {  	s25 =	simm.s32 $0x1B8E;
	s24 =	sld [smem:$0x3FFE];
	[sflag:s23] =	ssyncadd.s32 $0xFFFFFFFF  }
0xa5: {  	s26 =	simm.s32 $execute0_lowered;
	[smem:$0x3FD2] =	sst s25  }
0xa6: {  	s5 =	sshll.u32 s26, $0x1;
	_ =	strace $0x80000046;
	[dreg:$0x1] =	wrdreg $0xFFFFFFFF  }
0xa7: {  	s28 =	simm.s32 $_size_execute0_lowered;
	s3 =	sadd.s32 s3, s5;
	[dreg:$0x0] =	wrdreg $0x0  }
0xa8: {  	s5 =	sshll.u32 s28, $0x1;
	[dreg:$0x2] =	wrdreg s3  }
0xa9: {  	[dreg:$0x3] =	wrdreg s5  }
0xaa: {  	[dreg:$0x4] =	wrdreg $0xC0  }
0xab: {  	_ =	task [dreg:s7], $0x5FFFF  }
0xac: {  	[dreg:$0x1] =	wrdreg $0xFFFFFFFF  }
0xad: {  	[dreg:$0x0] =	wrdreg $0x60  }
0xae: {  	[dreg:$0x2] =	wrdreg s2  }
0xaf: {  	[dreg:$0x3] =	wrdreg s24  }
0xb0: {  	[dreg:$0x4] =	wrdreg $0xA  }
0xb1: {  	_ =	task.clear_ibuf [dreg:s7], $0x5FFFF;
	_ =	strace $0x90000046  }
0xb2: {  	s29 =	simm.s32 $0xA;
	_ =	strace $0x80000048  }
0xb3: {  	_ =	swait.ge [sflag:s29], $0x1  }
0xb4: {  	[sflag:s29] =	ssyncadd.s32 $0xFFFFFFFF  }
0xb5: {  	_ =	strace $0x90000048  }
0xb6: {  	_ =	sfence  }
0xb7: {  	s30 =	sld [smem:$0x0];
	_ =	sdelay $0x2  }
0xb8: {  	s31 =	sshll.u32 s1, $0xD;
	s1 =	sshrl.u32 s1, $0x2  }
0xb9: {  	s3 =	sand.u32 $0x4000, s31;
	s1 =	sadd.s32 s1, s30  }
0xba: {  	s0 =	sor.u32 s3, s0;
	s1 =	sshll.u32 s1, $0x11  }
0xbb: {  	s0 =	sor.u32 s1, s0  }
0xbc: {  	s0 =	sadd.s32 $0x8F2B, s0  }
0xbd: {  	[sflag:s0] =	ssyncadd.remote.s32 $0x1  }
0xbe: {  	_ =	sfence.sel $0xFFFF  }
0xbf: {  	[dreg:$0x0] =	wrdreg $0xFFFFFFFF;
	(pc) =	sbr.abs _section_cstart, $3  }
0xc0: {  	[dreg:$0x1] =	wrdreg $0xFFFFFFFF  }
0xc1: {  	_ =	task.clear_ibuf [dreg:s7], $0x2FFFF;
	_ =	strace $0x9FFFFFFF  }
0xc2: {  	(tm) =	ssettm $0x7FFFFFFF  }
0xc3: {  	_ =	shalt  }
tec
execute0_lowered:
.L_overlay_start_1:
0x0: {  	(tag) =	ssettag $0x1  }
0x1: {  	s1 =	srdreg.scid;
	s2 =	rddreg [dreg:$0x0]  }
0x2: {  	s0 =	stileid.u32;
	s5 =	rddreg [dreg:$0x1];
	s3 =	simm.s32 $0x0  }
0x3: {  	s10 =	simm.s32 $0x4C00;
	s11 =	simm.s32 $0x8C00;
	s12 =	simm.s32 $0xCC00  }
0x4: {  	s13 =	simm.s32 $0x1;
	s14 =	simm.s32 $0x2;
	s15 =	simm.s32 $0x3  }
0x5: {  	s16 =	simm.s32 $0x4;
	s17 =	simm.s32 $0x5;
	s18 =	simm.s32 $0x6  }
0x6: {  	s19 =	simm.s32 $0x7;
	s20 =	simm.s32 $0x8;
	s4 =	sand.u32 $0x1, s1  }
0x7: {  	s30 =	sshll.u32 s0, $0x1;
	s7 =	smul.u32 $0x14000, s0;
	[smem:$0x7FF] =	sst s3  }
0x8: {  	s1 =	sor.u32 s4, s30;
	s8 =	ssub.s32 $0x2, s4;
	s4 =	smul.u32 $0xA000, s4  }
0x9: {  	s21 =	simm.s32 $0x0;
	s6 =	smul.u32 $0x180, s1;
	s1 =	rddreg [dreg:$0x2]  }
0xa: {  	_ =	strace $0x80000047;
	s7 =	sadd.s32 s7, s5;
	s9 =	sshrl.u32 s8, $0x1  }
0xb: {  	s31 =	ssub.s32 s8, s9;
	s7 =	sadd.s32 s4, s7;
	s8 =	simm.s32 $0x80  }
0xc: {  	s9 =	simm.s32 $0xC00;
	s5 =	sadd.s32 s6, s5;
	s6 =	sadd.s32 $0x9600, s7  }
0xd: {  	s7 =	simm.s32 $0x9;
	s4 =	sadd.s32 $0x4E00, s5;
	s5 =	smax.u32 s31, $0x1  }
.LBB2_1:
0xe: {  	[tilespmem:s3], [sflag:$0x9] =	stream.linear.gather [hbm4b:s4+s3], $0xA00, $0x38;
	[tilespmem:$0x10C00] =	vst v63  }
0xf: {  	_ =	swait.ge [sflag:s7], $0xA00  }
0x10: {  	[sflag:s7] =	ssyncset.done $0x0  }
0x11: {  	s22 =	simm.s32 $0x0;
	[sflag:s7] =	ssyncadd.s32 $0xFFFFF600  }
0x12: {  	[tilespmem:s9], [sflag:$0x1] =	stream.indirect.gather [hbm4b:s2+s8], $0x80, s22, s8, $0xb8;
	[tilespmem:$0x10C00] =	vst v63  }
0x13: {  	s25 =	simm.s32 $0x80  }
0x14: {  	[tilespmem:s10], [sflag:$0x2] =	stream.indirect.gather [hbm4b:s2+s8], $0x80, s25, s8, $0xb8;
	[tilespmem:$0x10C00] =	vst v63  }
0x15: {  	s26 =	simm.s32 $0x100  }
0x16: {  	[tilespmem:s11], [sflag:$0x3] =	stream.indirect.gather [hbm4b:s2+s8], $0x80, s26, s8, $0xb8;
	[tilespmem:$0x10C00] =	vst v63  }
0x17: {  	s28 =	simm.s32 $0x180  }
0x18: {  	[tilespmem:s12], [sflag:$0x4] =	stream.indirect.gather [hbm4b:s2+s8], $0x80, s28, s8, $0xb8;
	[tilespmem:$0x10C00] =	vst v63  }
0x19: {  	_ =	swait.ge [sflag:s13], $0x4000  }
0x1a: {  	[sflag:s13] =	ssyncset.done $0x0  }
0x1b: {  	s29 =	sadd.s32 $0xFFFFE800, s6;
	[sflag:s13] =	ssyncadd.s32 $0xFFFFC000  }
0x1c: {  	[hbm4b:s29+s3] =	stream.linear.scatter [tilespmem:s9], [sflag:$0x5], $0x4000, $0x38;
	[tilespmem:$0x10C00] =	vst v63  }
0x1d: {  	_ =	swait.ge [sflag:s14], $0x4000  }
0x1e: {  	[sflag:s14] =	ssyncset.done $0x0  }
0x1f: {  	s30 =	sadd.s32 $0xFFFFF000, s6;
	[sflag:s14] =	ssyncadd.s32 $0xFFFFC000  }
0x20: {  	[hbm4b:s30+s3] =	stream.linear.scatter [tilespmem:s10], [sflag:$0x6], $0x4000, $0x38;
	[tilespmem:$0x10C00] =	vst v63  }
0x21: {  	_ =	swait.ge [sflag:s15], $0x4000  }
0x22: {  	[sflag:s15] =	ssyncset.done $0x0  }
0x23: {  	s31 =	sadd.s32 $0xFFFFF800, s6;
	[sflag:s15] =	ssyncadd.s32 $0xFFFFC000  }
0x24: {  	[hbm4b:s31+s3] =	stream.linear.scatter [tilespmem:s11], [sflag:$0x7], $0x4000, $0x38;
	[tilespmem:$0x10C00] =	vst v63  }
0x25: {  	_ =	swait.ge [sflag:s16], $0x4000  }
0x26: {  	[sflag:s16] =	ssyncset.done $0x0  }
0x27: {  	[sflag:s16] =	ssyncadd.s32 $0xFFFFC000  }
0x28: {  	[hbm4b:s6+s3] =	stream.linear.scatter [tilespmem:s12], [sflag:$0x8], $0x4000, $0x38;
	[tilespmem:$0x10C00] =	vst v63  }
0x29: {  	_ =	swait.ge [sflag:s17], $0x4000  }
0x2a: {  	[sflag:s17] =	ssyncset.done $0x0  }
0x2b: {  	[sflag:s17] =	ssyncadd.s32 $0xFFFFC000  }
0x2c: {  	_ =	swait.ge [sflag:s18], $0x4000  }
0x2d: {  	[sflag:s18] =	ssyncset.done $0x0  }
0x2e: {  	[sflag:s18] =	ssyncadd.s32 $0xFFFFC000  }
0x2f: {  	_ =	swait.ge [sflag:s19], $0x4000  }
0x30: {  	[sflag:s19] =	ssyncset.done $0x0  }
0x31: {  	[sflag:s19] =	ssyncadd.s32 $0xFFFFC000  }
0x32: {  	s23 =	simm.s32 $0x800;
	_ =	swait.ge [sflag:s20], $0x4000  }
0x33: {  	s22 =	sadd.s32 $0x2000, s6;
	s25 =	simm.s32 $0x1000;
	[sflag:s20] =	ssyncset.done $0x0  }
.LBB2_2:
0x34: {  	s26 =	sshra.s32 s23, $0x2  }
0x35: {  	[sflag:s20] =	ssyncadd.s32 $0xFFFFC000;
	s23 =	smov.u32 s25;
	s24 =	sadd.s32 $0x800, s25  }
0x36: {  	[tilespmem:s9], [sflag:$0x1] =	stream.indirect.gather [hbm4b:s2+s8], $0x80, s26, s8, $0xb8;
	[tilespmem:$0x10C00] =	vst v63  }
0x37: {  	p0 =	sne.s32 s25, $0x2000;
	s25 =	sadd.s32 $0x80, s26  }
0x38: {  	[tilespmem:s10], [sflag:$0x2] =	stream.indirect.gather [hbm4b:s2+s8], $0x80, s25, s8, $0xb8;
	[tilespmem:$0x10C00] =	vst v63  }
0x39: {  	s25 =	sadd.s32 $0x100, s26  }
0x3a: {  	[tilespmem:s11], [sflag:$0x3] =	stream.indirect.gather [hbm4b:s2+s8], $0x80, s25, s8, $0xb8;
	[tilespmem:$0x10C00] =	vst v63  }
0x3b: {  	s25 =	sadd.s32 $0x180, s26  }
0x3c: {  	[tilespmem:s12], [sflag:$0x4] =	stream.indirect.gather [hbm4b:s2+s8], $0x80, s25, s8, $0xb8;
	[tilespmem:$0x10C00] =	vst v63  }
0x3d: {  	_ =	swait.ge [sflag:s13], $0x4000  }
0x3e: {  	[sflag:s13] =	ssyncset.done $0x0  }
0x3f: {  	s25 =	sadd.s32 $0xFFFFE800, s22;
	[sflag:s13] =	ssyncadd.s32 $0xFFFFC000  }
0x40: {  	[hbm4b:s25+s3] =	stream.linear.scatter [tilespmem:s9], [sflag:$0x5], $0x4000, $0x38;
	[tilespmem:$0x10C00] =	vst v63  }
0x41: {  	_ =	swait.ge [sflag:s14], $0x4000  }
0x42: {  	[sflag:s14] =	ssyncset.done $0x0  }
0x43: {  	s25 =	sadd.s32 $0xFFFFF000, s22;
	[sflag:s14] =	ssyncadd.s32 $0xFFFFC000  }
0x44: {  	[hbm4b:s25+s3] =	stream.linear.scatter [tilespmem:s10], [sflag:$0x6], $0x4000, $0x38;
	[tilespmem:$0x10C00] =	vst v63  }
0x45: {  	_ =	swait.ge [sflag:s15], $0x4000  }
0x46: {  	[sflag:s15] =	ssyncset.done $0x0  }
0x47: {  	s25 =	sadd.s32 $0xFFFFF800, s22;
	[sflag:s15] =	ssyncadd.s32 $0xFFFFC000  }
0x48: {  	[hbm4b:s25+s3] =	stream.linear.scatter [tilespmem:s11], [sflag:$0x7], $0x4000, $0x38;
	[tilespmem:$0x10C00] =	vst v63  }
0x49: {  	_ =	swait.ge [sflag:s16], $0x4000  }
0x4a: {  	[sflag:s16] =	ssyncset.done $0x0  }
0x4b: {  	[sflag:s16] =	ssyncadd.s32 $0xFFFFC000  }
0x4c: {  	[hbm4b:s22+s3] =	stream.linear.scatter [tilespmem:s12], [sflag:$0x8], $0x4000, $0x38;
	[tilespmem:$0x10C00] =	vst v63  }
0x4d: {  	_ =	swait.ge [sflag:s17], $0x4000  }
0x4e: {  	[sflag:s17] =	ssyncset.done $0x0  }
0x4f: {  	[sflag:s17] =	ssyncadd.s32 $0xFFFFC000  }
0x50: {  	_ =	swait.ge [sflag:s18], $0x4000  }
0x51: {  	[sflag:s18] =	ssyncset.done $0x0  }
0x52: {  	[sflag:s18] =	ssyncadd.s32 $0xFFFFC000  }
.Ltmp0:
0x53: {  	_ =	swait.ge [sflag:s19], $0x4000;
	(pc) =	sbr.rel @p0 .LBB2_2-.Ltmp0, $4  }
0x54: {  	[sflag:s19] =	ssyncset.done $0x0  }
0x55: {  	[sflag:s19] =	ssyncadd.s32 $0xFFFFC000  }
0x56: {  	_ =	swait.ge [sflag:s20], $0x4000  }
0x57: {  	s25 =	smov.u32 s24;
	s22 =	sadd.s32 $0x2000, s22;
	[sflag:s20] =	ssyncset.done $0x0  }
0x58: {  	s23 =	sshra.s32 s23, $0x2;
	[sflag:s20] =	ssyncadd.s32 $0xFFFFC000  }
0x59: {  	[tilespmem:s9], [sflag:$0x1] =	stream.indirect.gather [hbm4b:s2+s8], $0x80, s23, s8, $0xb8;
	[tilespmem:$0x10C00] =	vst v63  }
0x5a: {  	s24 =	sadd.s32 $0x80, s23  }
0x5b: {  	[tilespmem:s10], [sflag:$0x2] =	stream.indirect.gather [hbm4b:s2+s8], $0x80, s24, s8, $0xb8;
	[tilespmem:$0x10C00] =	vst v63  }
0x5c: {  	s28 =	sadd.s32 $0x100, s23  }
0x5d: {  	[tilespmem:s11], [sflag:$0x3] =	stream.indirect.gather [hbm4b:s2+s8], $0x80, s28, s8, $0xb8;
	[tilespmem:$0x10C00] =	vst v63  }
0x5e: {  	s23 =	sadd.s32 $0x180, s23  }
0x5f: {  	[tilespmem:s12], [sflag:$0x4] =	stream.indirect.gather [hbm4b:s2+s8], $0x80, s23, s8, $0xb8;
	[tilespmem:$0x10C00] =	vst v63  }
0x60: {  	_ =	swait.ge [sflag:s13], $0x4000  }
0x61: {  	[sflag:s13] =	ssyncset.done $0x0  }
0x62: {  	s29 =	sadd.s32 $0xFFFFE800, s22;
	[sflag:s13] =	ssyncadd.s32 $0xFFFFC000  }
0x63: {  	[hbm4b:s29+s3] =	stream.linear.scatter [tilespmem:s9], [sflag:$0x5], $0x4000, $0x38;
	[tilespmem:$0x10C00] =	vst v63  }
0x64: {  	_ =	swait.ge [sflag:s14], $0x4000  }
0x65: {  	[sflag:s14] =	ssyncset.done $0x0  }
0x66: {  	s30 =	sadd.s32 $0xFFFFF000, s22;
	[sflag:s14] =	ssyncadd.s32 $0xFFFFC000  }
0x67: {  	[hbm4b:s30+s3] =	stream.linear.scatter [tilespmem:s10], [sflag:$0x6], $0x4000, $0x38;
	[tilespmem:$0x10C00] =	vst v63  }
0x68: {  	_ =	swait.ge [sflag:s15], $0x4000  }
0x69: {  	[sflag:s15] =	ssyncset.done $0x0  }
0x6a: {  	s31 =	sadd.s32 $0xFFFFF800, s22;
	[sflag:s15] =	ssyncadd.s32 $0xFFFFC000  }
0x6b: {  	[hbm4b:s31+s3] =	stream.linear.scatter [tilespmem:s11], [sflag:$0x7], $0x4000, $0x38;
	[tilespmem:$0x10C00] =	vst v63  }
0x6c: {  	_ =	swait.ge [sflag:s16], $0x4000  }
0x6d: {  	[sflag:s16] =	ssyncset.done $0x0  }
0x6e: {  	[sflag:s16] =	ssyncadd.s32 $0xFFFFC000  }
0x6f: {  	[hbm4b:s22+s3] =	stream.linear.scatter [tilespmem:s12], [sflag:$0x8], $0x4000, $0x38;
	[tilespmem:$0x10C00] =	vst v63  }
0x70: {  	_ =	swait.ge [sflag:s17], $0x4000  }
0x71: {  	[sflag:s17] =	ssyncset.done $0x0  }
0x72: {  	[sflag:s17] =	ssyncadd.s32 $0xFFFFC000  }
0x73: {  	_ =	swait.ge [sflag:s18], $0x4000  }
0x74: {  	[sflag:s18] =	ssyncset.done $0x0  }
0x75: {  	s21 =	sadd.s32 $0x1, s21;
	[sflag:s18] =	ssyncadd.s32 $0xFFFFC000  }
0x76: {  	p0 =	sne.s32 s21, s5;
	_ =	swait.ge [sflag:s19], $0x4000  }
.Ltmp1:
0x77: {  	[sflag:s19] =	ssyncset.done $0x0;
	(pc) =	sbr.rel @p0 .LBB2_1-.Ltmp1, $4  }
0x78: {  	[sflag:s19] =	ssyncadd.s32 $0xFFFFC000  }
0x79: {  	_ =	swait.ge [sflag:s20], $0x4000  }
0x7a: {  	[sflag:s20] =	ssyncset.done $0x0  }
0x7b: {  	[sflag:s20] =	ssyncadd.s32 $0xFFFFC000  }
0x7c: {  	_ =	sfence.sel $0x180000  }
0x7d: {  	[bflag:$0x0] =	sbarrier.arrive $0xFFFF  }
0x7e: {  	p0 =	sne.s32 s0, $0x0;
	_ =	strace $0x90000047  }
0x7f: {  	s0 =	sadd.s32 @!p0 $0x100000, s1;
	[bflag:$0x2] =	sbarrier.arrive $0xFFFF  }
0x80: {  	[sflag:s0] =	ssyncadd.tile.s32 @!p0 $0x1;
	_ =	shalt  }
.Lfunc_end2:
_tile_overlayer_lowered:
.L_overlay_start_2:
0x81: {  	(tag) =	ssettag $0x2  }
0x82: {  	s0 =	rddreg [dreg:$0x0];
	s2 =	stileid.u32  }
0x83: {  	s1 =	rddreg [dreg:$0x1];
	p0 =	sne.s32 s2, $0x0  }
0x84: {  	s3 =	rddreg [dreg:$0x2];
	[bflag:$0x3] =	sbarrier.arrive $0xFFFF;
	s2 =	simm.s32 @!p0 $0x1C09  }
0x85: {  	[timem:s3], [sflag:s2] =	dma.local @!p0 [hbm:s0], s1  }
0x86: {  	s0 =	simm.s32 @!p0 $0x9  }
0x87: {  	_ =	swait.ge @!p0 [sflag:s0], s1  }
0x88: {  	s1 =	ssub.s32 @!p0 $0x0, s1;
	[sflag:s0] =	ssyncset.done @!p0 $0x0  }
0x89: {  	[sflag:s0] =	ssyncadd.s32 @!p0 s1  }
0x8a: {  	[bflag:$0x3] =	sbarrier.arrive $0xFFFF  }
0x8b: {  	_ =	shalt  }

// kernel: kernel.13.cloned.1.call-start
scs
__scs_entry_jumppad:
0x0: {  	(pc) =	sbr.rel $0x88, $3  }
0x1: {  	(tag) =	ssettag $0x0;
	lr =	simm.s32 $0x1  }
0x2: {  	[smem:$0x3F95] =	sst lr;
	_ =	strace $0xD0000000  }
0x3: {  	_ = 	snop  }
0x4: {  	_ = 	snop  }
0x5: {  	_ = 	snop  }
0x6: {  	_ = 	snop  }
0x7: {  	_ = 	snop  }
__scs_overlays_trampoline_lowered:
0x8: {  	[smem:$0x3FA4] =	sst s0  }
0x9: {  	[smem:$0x3FA5] =	sst s1  }
0xa: {  	[smem:$0x3FA6] =	sst s2  }
0xb: {  	[smem:$0x3FA7] =	sst s3  }
0xc: {  	[smem:$0x3FA8] =	sst s4  }
0xd: {  	[smem:$0x3FA9] =	sst s5  }
0xe: {  	[smem:$0x3FAA] =	sst s6  }
0xf: {  	[smem:$0x3FAB] =	sst s7  }
0x10: {  	[smem:$0x3FAC] =	sst s8  }
0x11: {  	[smem:$0x3FAD] =	sst s9;
	s0 =	simm.s32 @!p0 $0x0  }
0x12: {  	s1 =	sld [smem:$0x3F93];
	s0 =	simm.s32 @p0 $0x1  }
0x13: {  	[smem:$0x3FAE] =	sst s0;
	s0 =	simm.s32 @!p1 $0x0  }
0x14: {  	s2 =	sld [smem:$0x3F92];
	s0 =	simm.s32 @p1 $0x1  }
0x15: {  	[smem:$0x3FAF] =	sst s0;
	s0 =	simm.s32 @!p2 $0x0  }
0x16: {  	s3 =	sld [smem:$0x3FDB];
	s0 =	simm.s32 @p2 $0x1  }
0x17: {  	s4 =	simm.s32 $0x1BF5;
	[smem:$0x3FB1] =	sst s0  }
0x18: {  	s0 =	sld [smem:$0x3F94];
	_ =	swait.ge [sflag:s4], $0x0  }
0x19: {  	s7 =	sld [smem:$0x3F95]  }
0x1a: {  	s8 =	sadd.s32 $0xFFFFE003, lr  }
0x1b: {  	s9 =	sadd.s32 $0xFFFFFEF7, lr;
	s5 =	simm.s32 $0xFFFFFFFF;
	p2 =	slt.u32 s8, $0xFFFFF086  }
0x1c: {  	p1 =	slt.u32 s9, $0xF7A;
	s5 =	simm.s32 @!p2 $0x0  }
0x1d: {  	s5 =	simm.s32 @p1 $0x1;
	p0 =	seq.s32 s7, s2  }
0x1e: {  	s7 =	smul.u32 @!p0 $0xF7A, s2;
	p2 =	seq.s32 @!p0 s5, $0x0  }
0x1f: {  	s9 =	smul.u32 $0xF7A, s1;
	s8 =	simm.s32 @!p0 $0x1BF5;
	p2 =	por !p2, p0  }
0x20: {  	[sflag:s8] =	ssyncset.s32 @!p0 $0xFFFFF086;
	s6 =	sadd.s32 @!p0 s3, s7;
	s7 =	simm.s32 @!p0 $0x108  }
0x21: {  	s3 =	sadd.s32 s3, s9;
	s6 =	sadd.s32 @!p0 $0x88, s6;
	s7 =	simm.s32 @p2 $0x1082  }
0x22: {  	[simem:s7], [sflag:s8] =	dma.local @!p0 [hbm:s6], $0xF7A  }
0x23: {  	s9 =	sor.u32 $0xD0000000, s2;
	s6 =	simm.s32 $0x108;
	_ =	swait.ge @!p0 [sflag:s8], $0x0  }
0x24: {  	s3 =	sadd.s32 $0x88, s3;
	s6 =	simm.s32 @!p1 $0x1082;
	[sflag:s4] =	ssyncset.s32 $0xFFFFF086  }
0x25: {  	[simem:s6], [sflag:s4] =	dma.local [hbm:s3], $0xF7A  }
0x26: {  	[smem:$0x3F95] =	sst s1;
	(tag) =	ssettag s2;
	_ =	strace s9  }
0x27: {  	s1 =	sld [smem:$0x3FA5]  }
0x28: {  	s2 =	sld [smem:$0x3FA6]  }
0x29: {  	s4 =	sld [smem:$0x3FA8]  }
0x2a: {  	p0 =	seq.s32 s5, $0x0;
	s5 =	sld [smem:$0x3FA9]  }
0x2b: {  	s6 =	sld [smem:$0x3FAA]  }
0x2c: {  	s7 =	sld [smem:$0x3FAB]  }
0x2d: {  	s3 =	simm.s32 $0x108;
	s8 =	sld [smem:$0x3FAC]  }
0x2e: {  	s3 =	simm.s32 @!p0 $0x1082;
	s9 =	sld [smem:$0x3FAD]  }
0x2f: {  	lr =	sadd.s32 s0, s3;
	s0 =	sld [smem:$0x3FA4]  }
0x30: {  	s3 =	sld [smem:$0x3FA7]  }
0x31: {  	[smem:$0x3FB0] =	sst s10  }
0x32: {  	s10 =	sld [smem:$0x3FAE];
	_ =	sdelay $0x3  }
0x33: {  	p0 =	seq.s32 s10, $0x1;
	s10 =	sld [smem:$0x3FB0];
	_ =	sdelay $0x3  }
0x34: {  	[smem:$0x3FB0] =	sst s10  }
0x35: {  	s10 =	sld [smem:$0x3FAF];
	_ =	sdelay $0x3  }
0x36: {  	p1 =	seq.s32 s10, $0x1;
	s10 =	sld [smem:$0x3FB0];
	_ =	sdelay $0x3  }
0x37: {  	[smem:$0x3FB0] =	sst s10  }
0x38: {  	s10 =	sld [smem:$0x3FB1]  }
0x39: {  	_ = 	snop;
	(pc) =	sbr.ind lr, $3  }
0x3a: {  	_ = 	snop  }
0x3b: {  	_ = 	snop  }
0x3c: {  	p2 =	seq.s32 s10, $0x1;
	s10 =	sld [smem:$0x3FB0]  }
0x3d: {  	_ =	shalt  }
0x3e: {  	_ =	shalt  }
0x3f: {  	_ =	shalt  }
0x40: {  	_ =	shalt  }
0x41: {  	_ =	shalt  }
0x42: {  	_ =	shalt  }
0x43: {  	_ =	shalt  }
0x44: {  	_ =	shalt  }
0x45: {  	_ =	shalt  }
0x46: {  	_ =	shalt  }
0x47: {  	_ =	shalt  }
0x48: {  	_ =	shalt  }
0x49: {  	_ =	shalt  }
0x4a: {  	_ =	shalt  }
0x4b: {  	_ =	shalt  }
0x4c: {  	_ =	shalt  }
0x4d: {  	_ =	shalt  }
0x4e: {  	_ =	shalt  }
0x4f: {  	_ =	shalt  }
0x50: {  	_ =	shalt  }
0x51: {  	_ =	shalt  }
0x52: {  	_ =	shalt  }
0x53: {  	_ =	shalt  }
0x54: {  	_ =	shalt  }
0x55: {  	_ =	shalt  }
0x56: {  	_ =	shalt  }
0x57: {  	_ =	shalt  }
0x58: {  	_ =	shalt  }
0x59: {  	_ =	shalt  }
0x5a: {  	_ =	shalt  }
0x5b: {  	_ =	shalt  }
0x5c: {  	_ =	shalt  }
0x5d: {  	_ =	shalt  }
0x5e: {  	_ =	shalt  }
0x5f: {  	_ =	shalt  }
0x60: {  	_ =	shalt  }
0x61: {  	_ =	shalt  }
0x62: {  	_ =	shalt  }
0x63: {  	_ =	shalt  }
0x64: {  	_ =	shalt  }
0x65: {  	_ =	shalt  }
0x66: {  	_ =	shalt  }
0x67: {  	_ =	shalt  }
0x68: {  	_ =	shalt  }
0x69: {  	_ =	shalt  }
0x6a: {  	_ =	shalt  }
0x6b: {  	_ =	shalt  }
0x6c: {  	_ =	shalt  }
0x6d: {  	_ =	shalt  }
0x6e: {  	_ =	shalt  }
0x6f: {  	_ =	shalt  }
0x70: {  	_ =	shalt  }
0x71: {  	_ =	shalt  }
0x72: {  	_ =	shalt  }
0x73: {  	_ =	shalt  }
0x74: {  	_ =	shalt  }
0x75: {  	_ =	shalt  }
0x76: {  	_ =	shalt  }
0x77: {  	_ =	shalt  }
0x78: {  	_ =	shalt  }
0x79: {  	_ =	shalt  }
0x7a: {  	_ =	shalt  }
0x7b: {  	_ =	shalt  }
0x7c: {  	_ =	shalt  }
0x7d: {  	_ =	shalt  }
0x7e: {  	_ =	shalt  }
0x7f: {  	_ =	shalt  }
0x80: {  	_ =	shalt  }
0x81: {  	_ =	shalt  }
0x82: {  	_ =	shalt  }
0x83: {  	_ =	shalt  }
0x84: {  	_ =	shalt  }
0x85: {  	_ =	shalt  }
0x86: {  	_ =	shalt  }
0x87: {  	_ =	shalt  }
.Lfunc_end0:
.L_simem_size_0:
called_computation.1_lowered:
.L_overlay_start_0:
0x88: {  	s2 =	sld [smem:$0x3FD9]  }
0x89: {  	s3 =	sld [smem:$0x3FFE];
	_ =	sdelay $0x1  }
0x8a: {  	s1 =	srdreg.scid  }
0x8b: {  	s0 =	sand.u32 $0x1, s1  }
0x8c: {  	s17 =	sshll.u32 s0, $0xA;
	s2 =	sadd.s32 s3, s2  }
0x8d: {  	s2 =	sadd.s32 s2, s17  }
0x8e: {  	[smem:$0x3FBC] =	sst s2  }
0x8f: {  	_ = 	snop  }
0x90: {  	(tm) =	ssettm $0x1  }
0x91: {  	s18 =	sld [smem:$0x3FFB];
	_ =	sdelay $0x3  }
0x92: {  	_ =	strace s18  }
0x93: {  	s2 =	sld [smem:$0x3FFC];
	_ =	sdelay $0x3  }
0x94: {  	_ =	strace s2  }
0x95: {  	s2 =	sld [smem:$0x3FFD];
	_ =	sdelay $0x3  }
0x96: {  	_ =	strace s2  }
0x97: {  	_ =	strace $0x8FFFFFFF  }
0x98: {  	s19 =	sld [smem:$0x3FDB];
	_ =	sdelay $0x1  }
0x99: {  	s20 =	simm.s32 $_scs_section_size  }
0x9a: {  	s4 =	simm.s32 $_size__tile_overlayer_lowered;
	s5 =	simm.s32 $_tile_overlayer_lowered  }
0x9b: {  	s6 =	simm.s32 $0x1BFF;
	s21 =	sshll.u32 s5, $0x1;
	s3 =	sadd.s32 s20, s19  }
0x9c: {  	s22 =	simm.s32 $0x0;
	s4 =	sshll.u32 s4, $0x1;
	s5 =	sadd.s32 s21, s3  }
0x9d: {  	[timem:s22], [sflag:s6] =	dma.local [hbm:s5], s4  }
0x9e: {  	_ =	swait.ge [sflag:s6], s4  }
0x9f: {  	s4 =	ssub.s32 $0x0, s4;
	[sflag:s6] =	ssyncset.done $0x0  }
0xa0: {  	[sflag:s6] =	ssyncadd.s32 s4;
	_ =	sdelay $0x1  }
0xa1: {  	s23 =	simm.s32 $0x1B8B  }
0xa2: {  	_ =	swait.ge [sflag:s23], $0x1  }
0xa3: {  	[sflag:s23] =	ssyncset.done $0x0  }
0xa4: {  	[sflag:s23] =	ssyncadd.s32 $0xFFFFFFFF  }
0xa5: {  	s4 =	sld [smem:$0x0]  }
0xa6: {  	s5 =	sand.u32 $0xFFFFFFFE, s1  }
0xa7: {  	p0 =	sne.s32 s1, s5  }
0xa8: {  	s5 =	sshll.u32 @p0 s5, $0xE  }
0xa9: {  	s5 =	sadd.s32 @p0 $0x11B8D, s5;
	s6 =	sshll.u32 @p0 s4, $0x11  }
0xaa: {  	s5 =	sor.u32 @p0 s6, s5  }
0xab: {  	[sflag:s5] =	ssyncadd.remote.s32 @p0 $0x1;
	_ =	sdelay $0x1  }
0xac: {  	s5 =	simm.s32 @p0 $0x1B8D  }
0xad: {  	_ =	swait.eq @p0 [sflag:s5], $0x1  }
0xae: {  	[sflag:s5] =	ssyncadd.s32 @p0 $0xFFFFFFFF  }
0xaf: {  	s6 =	sshll.u32 @!p0 s1, $0xE  }
0xb0: {  	s6 =	sor.u32 @!p0 $0x4000, s6;
	s5 =	simm.s32 @!p0 $0x1B8D  }
0xb1: {  	s4 =	sshll.u32 @!p0 s4, $0x11;
	s6 =	sadd.s32 @!p0 $0x11B8D, s6;
	_ =	swait.eq @!p0 [sflag:s5], $0x1  }
0xb2: {  	s4 =	sor.u32 @!p0 s4, s6;
	[sflag:s5] =	ssyncadd.s32 @!p0 $0xFFFFFFFF  }
0xb3: {  	s25 =	simm.s32 $0x1B8E;
	s24 =	sld [smem:$0x3FFE];
	[sflag:s4] =	ssyncadd.remote.s32 @!p0 $0x1  }
0xb4: {  	s26 =	simm.s32 $execute0_lowered;
	[smem:$0x3FD2] =	sst s25  }
0xb5: {  	s5 =	sshll.u32 s26, $0x1;
	_ =	strace $0x8000004C;
	[dreg:$0x1] =	wrdreg $0xFFFFFFFF  }
0xb6: {  	s28 =	simm.s32 $_size_execute0_lowered;
	s3 =	sadd.s32 s3, s5;
	[dreg:$0x0] =	wrdreg $0x0  }
0xb7: {  	s5 =	sshll.u32 s28, $0x1;
	[dreg:$0x2] =	wrdreg s3  }
0xb8: {  	[dreg:$0x3] =	wrdreg s5  }
0xb9: {  	[dreg:$0x4] =	wrdreg $0xC0  }
0xba: {  	_ =	task [dreg:s22], $0x5FFFF  }
0xbb: {  	[dreg:$0x1] =	wrdreg $0xFFFFFFFF  }
0xbc: {  	[dreg:$0x0] =	wrdreg $0x60  }
0xbd: {  	[dreg:$0x2] =	wrdreg s24  }
0xbe: {  	[dreg:$0x3] =	wrdreg $0x8C000  }
0xbf: {  	[dreg:$0x4] =	wrdreg $0xA  }
0xc0: {  	_ =	task.clear_ibuf [dreg:s22], $0x5FFFF;
	_ =	strace $0x9000004C  }
0xc1: {  	s29 =	simm.s32 $0xA;
	_ =	strace $0x8000004E  }
0xc2: {  	_ =	swait.ge [sflag:s29], $0x1  }
0xc3: {  	[sflag:s29] =	ssyncadd.s32 $0xFFFFFFFF  }
0xc4: {  	_ =	strace $0x9000004E  }
0xc5: {  	_ =	sfence  }
0xc6: {  	s30 =	sld [smem:$0x0];
	_ =	sdelay $0x2  }
0xc7: {  	s31 =	sshll.u32 s1, $0xD;
	s1 =	sshrl.u32 s1, $0x2  }
0xc8: {  	s4 =	sand.u32 $0x4000, s31;
	s1 =	sadd.s32 s1, s30  }
0xc9: {  	s0 =	sor.u32 s4, s0;
	s1 =	sshll.u32 s1, $0x11  }
0xca: {  	s0 =	sor.u32 s1, s0  }
0xcb: {  	s0 =	sadd.s32 $0x8F2B, s0  }
0xcc: {  	[sflag:s0] =	ssyncadd.remote.s32 $0x1  }
0xcd: {  	_ =	sfence.sel $0xFFFF  }
0xce: {  	[dreg:$0x0] =	wrdreg $0xFFFFFFFF;
	(pc) =	sbr.abs _section_cstart, $3  }
0xcf: {  	[dreg:$0x1] =	wrdreg $0xFFFFFFFF  }
0xd0: {  	_ =	task.clear_ibuf [dreg:s22], $0x2FFFF;
	_ =	strace $0x9FFFFFFF  }
0xd1: {  	(tm) =	ssettm $0x7FFFFFFF  }
tec
execute0_lowered:
.L_overlay_start_1:
0x0: {  	(tag) =	ssettag $0x1  }
0x1: {  	s4 =	rddreg [dreg:$0x0]  }
0x2: {  	s2 =	rddreg [dreg:$0x1]  }
0x3: {  	s0 =	rddreg [dreg:$0x2];
	s1 =	stileid.u32  }
0x4: {  	s5 =	srdreg.scid;
	s3 =	simm.s32 $0x0;
	s13 =	simm.s32 $0x4C00  }
0x5: {  	s14 =	simm.s32 $0x1;
	s15 =	simm.s32 $0x80;
	s16 =	simm.s32 $0x3  }
0x6: {  	s17 =	simm.s32 $0x2;
	s18 =	simm.s32 $0x0;
	s6 =	smul.u32 $0x14000, s1  }
0x7: {  	s5 =	sand.u32 $0x1, s5;
	[smem:$0x7FF] =	sst s3;
	s10 =	smul.u32 $0x50000, s1  }
0x8: {  	s7 =	sshll.u32 s1, $0x1;
	s31 =	sshll.u32 s1, $0x6;
	s8 =	smul.u32 $0x140000, s5  }
0x9: {  	_ =	strace $0x8000004D;
	s7 =	sor.u32 s5, s7;
	s26 =	ssub.s32 $0x2, s5  }
0xa: {  	s30 =	smul.u32 $0xA000, s5;
	s5 =	sor.u32 $0x1C04, s31;
	s9 =	sadd.s32 s6, s4  }
0xb: {  	s7 =	smul.u32 $0x180, s7;
	s28 =	sshrl.u32 s26, $0x1;
	s29 =	sshrl.u32 s10, $0x2  }
0xc: {  	s6 =	sadd.s32 s6, s8;
	s8 =	ssub.s32 s26, s28;
	s12 =	sadd.s32 s29, s2  }
0xd: {  	s9 =	sadd.s32 s30, s9;
	s6 =	sshrl.u32 s6, $0x3;
	s7 =	sadd.s32 s7, s4  }
0xe: {  	s8 =	smax.u32 s8, $0x1;
	s9 =	sadd.s32 $0x293600, s9;
	s10 =	sshrl.u32 s12, $0x3  }
0xf: {  	s12 =	simm.s32 $0xC00;
	s11 =	sadd.s32 s6, s4;
	s6 =	sadd.s32 $0x28FE00, s7  }
0x10: {  	s4 =	sadd.s32 $0x2600, s11;
	s7 =	sadd.s32 $0x52600, s11;
	s11 =	simm.s32 $0x4  }
.LBB2_1:
0x11: {  	[spmem:s10], [sflag:s5] =	dma.local [hbm:s4], $0x2800  }
0x12: {  	_ =	swait.ge [sflag:s11], $0x2800  }
0x13: {  	[sflag:s11] =	ssyncset.done $0x0  }
0x14: {  	[sflag:s11] =	ssyncadd.s32 $0xFFFFD800  }
0x15: {  	[bflag:$0x0] =	sbarrier.arrive $0xFFFF  }
0x16: {  	[tilespmem:s3], [sflag:$0x4] =	stream.linear.gather [hbm4b:s6+s3], $0xA00, $0x38;
	[tilespmem:$0x1CC00] =	vst v63  }
0x17: {  	_ =	swait.ge [sflag:s11], $0xA00  }
0x18: {  	[sflag:s11] =	ssyncset.done $0x0  }
0x19: {  	s19 =	sadd.s32 $0xFFFFF800, s9;
	[sflag:s11] =	ssyncadd.s32 $0xFFFFF600  }
0x1a: {  	[tilespmem:s12], [sflag:$0x1] =	stream.linear.gather [hbm4b:s19+s3], $0x4000, $0x38;
	[tilespmem:$0x1CC00] =	vst v63  }
0x1b: {  	_ = 	snop  }
0x1c: {  	[tilespmem:s13], [sflag:$0x2] =	stream.linear.gather [hbm4b:s9+s3], $0x4000, $0x38;
	[tilespmem:$0x1CC00] =	vst v63  }
0x1d: {  	_ =	swait.ge [sflag:s14], $0x4000  }
0x1e: {  	[sflag:s14] =	ssyncset.done $0x0  }
0x1f: {  	s30 =	simm.s32 $0x0;
	[sflag:s14] =	ssyncadd.s32 $0xFFFFC000  }
0x20: {  	[spmem:s2] =	stream.indirect.scatter.add.f32 [tilespmem:s12], [sflag:$0x3], $0x80, s30, s15, $0xb8;
	[tilespmem:$0x1CC00] =	vst v63  }
0x21: {  	_ =	swait.ge [sflag:s16], $0x4000  }
0x22: {  	[sflag:s16] =	ssyncset.done $0x0  }
0x23: {  	[sflag:s16] =	ssyncadd.s32 $0xFFFFC000  }
0x24: {  	_ =	swait.ge [sflag:s17], $0x4000  }
0x25: {  	[sflag:s17] =	ssyncset.done $0x0  }
0x26: {  	s31 =	simm.s32 $0x80;
	[sflag:s17] =	ssyncadd.s32 $0xFFFFC000  }
0x27: {  	[spmem:s2] =	stream.indirect.scatter.add.f32 [tilespmem:s13], [sflag:$0x3], $0x80, s31, s15, $0xb8;
	[tilespmem:$0x1CC00] =	vst v63  }
0x28: {  	s21 =	simm.s32 $0x800;
	_ =	swait.ge [sflag:s16], $0x4000  }
0x29: {  	s20 =	sadd.s32 $0x1000, s9;
	s19 =	simm.s32 $0x400;
	[sflag:s16] =	ssyncset.done $0x0  }
.LBB2_2:
0x2a: {  	p0 =	sne.s32 s21, $0x2400;
	s22 =	sadd.s32 $0xFFFFF800, s20;
	[sflag:s16] =	ssyncadd.s32 $0xFFFFC000  }
0x2b: {  	[tilespmem:s12], [sflag:$0x1] =	stream.linear.gather [hbm4b:s22+s3], $0x4000, $0x38;
	[tilespmem:$0x1CC00] =	vst v63  }
0x2c: {  	s22 =	smov.u32 s21;
	s21 =	sadd.s32 $0x400, s21  }
0x2d: {  	[tilespmem:s13], [sflag:$0x2] =	stream.linear.gather [hbm4b:s20+s3], $0x4000, $0x38;
	[tilespmem:$0x1CC00] =	vst v63  }
0x2e: {  	_ =	swait.ge [sflag:s14], $0x4000  }
0x2f: {  	[sflag:s14] =	ssyncset.done $0x0  }
0x30: {  	s23 =	sshra.s32 s19, $0x2;
	s19 =	smov.u32 s22;
	[sflag:s14] =	ssyncadd.s32 $0xFFFFC000  }
0x31: {  	[spmem:s2] =	stream.indirect.scatter.add.f32 [tilespmem:s12], [sflag:$0x3], $0x80, s23, s15, $0xb8;
	[tilespmem:$0x1CC00] =	vst v63  }
0x32: {  	_ =	swait.ge [sflag:s16], $0x4000  }
0x33: {  	[sflag:s16] =	ssyncset.done $0x0  }
0x34: {  	[sflag:s16] =	ssyncadd.s32 $0xFFFFC000  }
0x35: {  	_ =	swait.ge [sflag:s17], $0x4000  }
.Ltmp0:
0x36: {  	[sflag:s17] =	ssyncset.done $0x0;
	(pc) =	sbr.rel @p0 .LBB2_2-.Ltmp0, $4  }
0x37: {  	s22 =	sadd.s32 $0x80, s23;
	[sflag:s17] =	ssyncadd.s32 $0xFFFFC000  }
0x38: {  	[spmem:s2] =	stream.indirect.scatter.add.f32 [tilespmem:s13], [sflag:$0x3], $0x80, s22, s15, $0xb8;
	[tilespmem:$0x1CC00] =	vst v63  }
0x39: {  	_ =	swait.ge [sflag:s16], $0x4000  }
0x3a: {  	s20 =	sadd.s32 $0x1000, s20;
	[sflag:s16] =	ssyncset.done $0x0  }
0x3b: {  	s21 =	sadd.s32 $0xFFFFF800, s20;
	[sflag:s16] =	ssyncadd.s32 $0xFFFFC000  }
0x3c: {  	[tilespmem:s12], [sflag:$0x1] =	stream.linear.gather [hbm4b:s21+s3], $0x4000, $0x38;
	[tilespmem:$0x1CC00] =	vst v63  }
0x3d: {  	_ = 	snop  }
0x3e: {  	[tilespmem:s13], [sflag:$0x2] =	stream.linear.gather [hbm4b:s20+s3], $0x4000, $0x38;
	[tilespmem:$0x1CC00] =	vst v63  }
0x3f: {  	_ =	swait.ge [sflag:s14], $0x4000  }
0x40: {  	[sflag:s14] =	ssyncset.done $0x0  }
0x41: {  	s19 =	sshra.s32 s19, $0x2;
	[sflag:s14] =	ssyncadd.s32 $0xFFFFC000  }
0x42: {  	[spmem:s2] =	stream.indirect.scatter.add.f32 [tilespmem:s12], [sflag:$0x3], $0x80, s19, s15, $0xb8;
	[tilespmem:$0x1CC00] =	vst v63  }
0x43: {  	_ =	swait.ge [sflag:s16], $0x4000  }
0x44: {  	[sflag:s16] =	ssyncset.done $0x0  }
0x45: {  	[sflag:s16] =	ssyncadd.s32 $0xFFFFC000  }
0x46: {  	_ =	swait.ge [sflag:s17], $0x4000  }
0x47: {  	[sflag:s17] =	ssyncset.done $0x0  }
0x48: {  	s19 =	sadd.s32 $0x80, s19;
	[sflag:s17] =	ssyncadd.s32 $0xFFFFC000  }
0x49: {  	[spmem:s2] =	stream.indirect.scatter.add.f32 [tilespmem:s13], [sflag:$0x3], $0x80, s19, s15, $0xb8;
	[tilespmem:$0x1CC00] =	vst v63  }
0x4a: {  	_ =	swait.ge [sflag:s16], $0x4000  }
0x4b: {  	s18 =	sadd.s32 $0x1, s18;
	[sflag:s16] =	ssyncset.done $0x0  }
0x4c: {  	p0 =	sne.s32 s18, s8;
	[sflag:s16] =	ssyncadd.s32 $0xFFFFC000  }
.Ltmp1:
0x4d: {  	[bflag:$0x0] =	sbarrier.arrive $0xFFFF;
	(pc) =	sbr.rel @p0 .LBB2_1-.Ltmp1, $4  }
0x4e: {  	[hbm:s7], [sflag:s5] =	dma.local [spmem:s10], $0x2800  }
0x4f: {  	_ =	swait.ge [sflag:s11], $0x2800  }
0x50: {  	[sflag:s11] =	ssyncset.done $0x0  }
0x51: {  	[sflag:s11] =	ssyncadd.s32 $0xFFFFD800  }
0x52: {  	_ =	sfence.sel $0x180000  }
0x53: {  	[bflag:$0x0] =	sbarrier.arrive $0xFFFF  }
0x54: {  	p0 =	sne.s32 s1, $0x0;
	_ =	strace $0x9000004D  }
0x55: {  	s0 =	sadd.s32 @!p0 $0x100000, s0;
	[bflag:$0x2] =	sbarrier.arrive $0xFFFF  }
0x56: {  	[sflag:s0] =	ssyncadd.tile.s32 @!p0 $0x1;
	_ =	shalt  }
.Lfunc_end2:
_tile_overlayer_lowered:
.L_overlay_start_2:
0x57: {  	(tag) =	ssettag $0x2  }
0x58: {  	s0 =	rddreg [dreg:$0x0];
	s2 =	stileid.u32  }
0x59: {  	s1 =	rddreg [dreg:$0x1];
	p0 =	sne.s32 s2, $0x0  }
0x5a: {  	s3 =	rddreg [dreg:$0x2];
	[bflag:$0x3] =	sbarrier.arrive $0xFFFF;
	s2 =	simm.s32 @!p0 $0x1C04  }
0x5b: {  	[timem:s3], [sflag:s2] =	dma.local @!p0 [hbm:s0], s1  }
0x5c: {  	s0 =	simm.s32 @!p0 $0x4  }
0x5d: {  	_ =	swait.ge @!p0 [sflag:s0], s1  }
0x5e: {  	s1 =	ssub.s32 @!p0 $0x0, s1;
	[sflag:s0] =	ssyncset.done @!p0 $0x0  }
0x5f: {  	[sflag:s0] =	ssyncadd.s32 @!p0 s1  }
0x60: {  	[bflag:$0x3] =	sbarrier.arrive $0xFFFF  }
0x61: {  	_ =	shalt  }

// kernel: kernel.16.cloned.1.call-start
scs
__scs_entry_jumppad:
0x0: {  	(pc) =	sbr.rel $0x88, $3  }
0x1: {  	(tag) =	ssettag $0x0;
	lr =	simm.s32 $0x1  }
0x2: {  	[smem:$0x3F95] =	sst lr;
	_ =	strace $0xD0000000  }
0x3: {  	_ = 	snop  }
0x4: {  	_ = 	snop  }
0x5: {  	_ = 	snop  }
0x6: {  	_ = 	snop  }
0x7: {  	_ = 	snop  }
__scs_overlays_trampoline_lowered:
0x8: {  	[smem:$0x3FA4] =	sst s0  }
0x9: {  	[smem:$0x3FA5] =	sst s1  }
0xa: {  	[smem:$0x3FA6] =	sst s2  }
0xb: {  	[smem:$0x3FA7] =	sst s3  }
0xc: {  	[smem:$0x3FA8] =	sst s4  }
0xd: {  	[smem:$0x3FA9] =	sst s5  }
0xe: {  	[smem:$0x3FAA] =	sst s6  }
0xf: {  	[smem:$0x3FAB] =	sst s7  }
0x10: {  	[smem:$0x3FAC] =	sst s8  }
0x11: {  	[smem:$0x3FAD] =	sst s9;
	s0 =	simm.s32 @!p0 $0x0  }
0x12: {  	s1 =	sld [smem:$0x3F93];
	s0 =	simm.s32 @p0 $0x1  }
0x13: {  	[smem:$0x3FAE] =	sst s0;
	s0 =	simm.s32 @!p1 $0x0  }
0x14: {  	s2 =	sld [smem:$0x3F92];
	s0 =	simm.s32 @p1 $0x1  }
0x15: {  	[smem:$0x3FAF] =	sst s0;
	s0 =	simm.s32 @!p2 $0x0  }
0x16: {  	s3 =	sld [smem:$0x3FDB];
	s0 =	simm.s32 @p2 $0x1  }
0x17: {  	s4 =	simm.s32 $0x1BF5;
	[smem:$0x3FB1] =	sst s0  }
0x18: {  	s0 =	sld [smem:$0x3F94];
	_ =	swait.ge [sflag:s4], $0x0  }
0x19: {  	s7 =	sld [smem:$0x3F95]  }
0x1a: {  	s8 =	sadd.s32 $0xFFFFE003, lr  }
0x1b: {  	s9 =	sadd.s32 $0xFFFFFEF7, lr;
	s5 =	simm.s32 $0xFFFFFFFF;
	p2 =	slt.u32 s8, $0xFFFFF086  }
0x1c: {  	p1 =	slt.u32 s9, $0xF7A;
	s5 =	simm.s32 @!p2 $0x0  }
0x1d: {  	s5 =	simm.s32 @p1 $0x1;
	p0 =	seq.s32 s7, s2  }
0x1e: {  	s7 =	smul.u32 @!p0 $0xF7A, s2;
	p2 =	seq.s32 @!p0 s5, $0x0  }
0x1f: {  	s9 =	smul.u32 $0xF7A, s1;
	s8 =	simm.s32 @!p0 $0x1BF5;
	p2 =	por !p2, p0  }
0x20: {  	[sflag:s8] =	ssyncset.s32 @!p0 $0xFFFFF086;
	s6 =	sadd.s32 @!p0 s3, s7;
	s7 =	simm.s32 @!p0 $0x108  }
0x21: {  	s3 =	sadd.s32 s3, s9;
	s6 =	sadd.s32 @!p0 $0x88, s6;
	s7 =	simm.s32 @p2 $0x1082  }
0x22: {  	[simem:s7], [sflag:s8] =	dma.local @!p0 [hbm:s6], $0xF7A  }
0x23: {  	s9 =	sor.u32 $0xD0000000, s2;
	s6 =	simm.s32 $0x108;
	_ =	swait.ge @!p0 [sflag:s8], $0x0  }
0x24: {  	s3 =	sadd.s32 $0x88, s3;
	s6 =	simm.s32 @!p1 $0x1082;
	[sflag:s4] =	ssyncset.s32 $0xFFFFF086  }
0x25: {  	[simem:s6], [sflag:s4] =	dma.local [hbm:s3], $0xF7A  }
0x26: {  	[smem:$0x3F95] =	sst s1;
	(tag) =	ssettag s2;
	_ =	strace s9  }
0x27: {  	s1 =	sld [smem:$0x3FA5]  }
0x28: {  	s2 =	sld [smem:$0x3FA6]  }
0x29: {  	s4 =	sld [smem:$0x3FA8]  }
0x2a: {  	p0 =	seq.s32 s5, $0x0;
	s5 =	sld [smem:$0x3FA9]  }
0x2b: {  	s6 =	sld [smem:$0x3FAA]  }
0x2c: {  	s7 =	sld [smem:$0x3FAB]  }
0x2d: {  	s3 =	simm.s32 $0x108;
	s8 =	sld [smem:$0x3FAC]  }
0x2e: {  	s3 =	simm.s32 @!p0 $0x1082;
	s9 =	sld [smem:$0x3FAD]  }
0x2f: {  	lr =	sadd.s32 s0, s3;
	s0 =	sld [smem:$0x3FA4]  }
0x30: {  	s3 =	sld [smem:$0x3FA7]  }
0x31: {  	[smem:$0x3FB0] =	sst s10  }
0x32: {  	s10 =	sld [smem:$0x3FAE];
	_ =	sdelay $0x3  }
0x33: {  	p0 =	seq.s32 s10, $0x1;
	s10 =	sld [smem:$0x3FB0];
	_ =	sdelay $0x3  }
0x34: {  	[smem:$0x3FB0] =	sst s10  }
0x35: {  	s10 =	sld [smem:$0x3FAF];
	_ =	sdelay $0x3  }
0x36: {  	p1 =	seq.s32 s10, $0x1;
	s10 =	sld [smem:$0x3FB0];
	_ =	sdelay $0x3  }
0x37: {  	[smem:$0x3FB0] =	sst s10  }
0x38: {  	s10 =	sld [smem:$0x3FB1]  }
0x39: {  	_ = 	snop;
	(pc) =	sbr.ind lr, $3  }
0x3a: {  	_ = 	snop  }
0x3b: {  	_ = 	snop  }
0x3c: {  	p2 =	seq.s32 s10, $0x1;
	s10 =	sld [smem:$0x3FB0]  }
0x3d: {  	_ =	shalt  }
0x3e: {  	_ =	shalt  }
0x3f: {  	_ =	shalt  }
0x40: {  	_ =	shalt  }
0x41: {  	_ =	shalt  }
0x42: {  	_ =	shalt  }
0x43: {  	_ =	shalt  }
0x44: {  	_ =	shalt  }
0x45: {  	_ =	shalt  }
0x46: {  	_ =	shalt  }
0x47: {  	_ =	shalt  }
0x48: {  	_ =	shalt  }
0x49: {  	_ =	shalt  }
0x4a: {  	_ =	shalt  }
0x4b: {  	_ =	shalt  }
0x4c: {  	_ =	shalt  }
0x4d: {  	_ =	shalt  }
0x4e: {  	_ =	shalt  }
0x4f: {  	_ =	shalt  }
0x50: {  	_ =	shalt  }
0x51: {  	_ =	shalt  }
0x52: {  	_ =	shalt  }
0x53: {  	_ =	shalt  }
0x54: {  	_ =	shalt  }
0x55: {  	_ =	shalt  }
0x56: {  	_ =	shalt  }
0x57: {  	_ =	shalt  }
0x58: {  	_ =	shalt  }
0x59: {  	_ =	shalt  }
0x5a: {  	_ =	shalt  }
0x5b: {  	_ =	shalt  }
0x5c: {  	_ =	shalt  }
0x5d: {  	_ =	shalt  }
0x5e: {  	_ =	shalt  }
0x5f: {  	_ =	shalt  }
0x60: {  	_ =	shalt  }
0x61: {  	_ =	shalt  }
0x62: {  	_ =	shalt  }
0x63: {  	_ =	shalt  }
0x64: {  	_ =	shalt  }
0x65: {  	_ =	shalt  }
0x66: {  	_ =	shalt  }
0x67: {  	_ =	shalt  }
0x68: {  	_ =	shalt  }
0x69: {  	_ =	shalt  }
0x6a: {  	_ =	shalt  }
0x6b: {  	_ =	shalt  }
0x6c: {  	_ =	shalt  }
0x6d: {  	_ =	shalt  }
0x6e: {  	_ =	shalt  }
0x6f: {  	_ =	shalt  }
0x70: {  	_ =	shalt  }
0x71: {  	_ =	shalt  }
0x72: {  	_ =	shalt  }
0x73: {  	_ =	shalt  }
0x74: {  	_ =	shalt  }
0x75: {  	_ =	shalt  }
0x76: {  	_ =	shalt  }
0x77: {  	_ =	shalt  }
0x78: {  	_ =	shalt  }
0x79: {  	_ =	shalt  }
0x7a: {  	_ =	shalt  }
0x7b: {  	_ =	shalt  }
0x7c: {  	_ =	shalt  }
0x7d: {  	_ =	shalt  }
0x7e: {  	_ =	shalt  }
0x7f: {  	_ =	shalt  }
0x80: {  	_ =	shalt  }
0x81: {  	_ =	shalt  }
0x82: {  	_ =	shalt  }
0x83: {  	_ =	shalt  }
0x84: {  	_ =	shalt  }
0x85: {  	_ =	shalt  }
0x86: {  	_ =	shalt  }
0x87: {  	_ =	shalt  }
.Lfunc_end0:
.L_simem_size_0:
called_computation.2_lowered:
.L_overlay_start_0:
0x88: {  	s2 =	sld [smem:$0x3FD9]  }
0x89: {  	s3 =	sld [smem:$0x3FFE];
	_ =	sdelay $0x1  }
0x8a: {  	s1 =	srdreg.scid  }
0x8b: {  	s0 =	sand.u32 $0x1, s1  }
0x8c: {  	s17 =	sshll.u32 s0, $0xA;
	s2 =	sadd.s32 s3, s2  }
0x8d: {  	s2 =	sadd.s32 s2, s17  }
0x8e: {  	[smem:$0x3FBC] =	sst s2  }
0x8f: {  	_ = 	snop  }
0x90: {  	s18 =	sld [smem:$0x3FD0];
	(tm) =	ssettm $0x1  }
0x91: {  	s19 =	sld [smem:$0x3FFB];
	_ =	sdelay $0x3  }
0x92: {  	_ =	strace s19  }
0x93: {  	s2 =	sld [smem:$0x3FFC];
	_ =	sdelay $0x3  }
0x94: {  	_ =	strace s2  }
0x95: {  	s2 =	sld [smem:$0x3FFD];
	_ =	sdelay $0x3  }
0x96: {  	_ =	strace s2  }
0x97: {  	_ =	strace $0x8FFFFFFF  }
0x98: {  	s20 =	sld [smem:$0x3FDB];
	_ =	sdelay $0x1  }
0x99: {  	s4 =	simm.s32 $_scs_section_size  }
0x9a: {  	s5 =	simm.s32 $_size__tile_overlayer_lowered;
	s6 =	simm.s32 $_tile_overlayer_lowered  }
0x9b: {  	s7 =	simm.s32 $0x1BFF;
	s21 =	sshll.u32 s6, $0x1;
	s4 =	sadd.s32 s4, s20  }
0x9c: {  	s22 =	simm.s32 $0x0;
	s5 =	sshll.u32 s5, $0x1;
	s6 =	sadd.s32 s21, s4  }
0x9d: {  	[timem:s22], [sflag:s7] =	dma.local [hbm:s6], s5  }
0x9e: {  	_ =	swait.ge [sflag:s7], s5  }
0x9f: {  	s5 =	ssub.s32 $0x0, s5;
	[sflag:s7] =	ssyncset.done $0x0  }
0xa0: {  	[sflag:s7] =	ssyncadd.s32 s5;
	_ =	sdelay $0x1  }
0xa1: {  	s23 =	simm.s32 $0x1B8B  }
0xa2: {  	_ =	swait.ge [sflag:s23], $0x1  }
0xa3: {  	[sflag:s23] =	ssyncset.done $0x0  }
0xa4: {  	[sflag:s23] =	ssyncadd.s32 $0xFFFFFFFF  }
0xa5: {  	s5 =	sld [smem:$0x0]  }
0xa6: {  	s6 =	sand.u32 $0xFFFFFFFE, s1  }
0xa7: {  	p0 =	sne.s32 s1, s6  }
0xa8: {  	s6 =	sshll.u32 @p0 s6, $0xE  }
0xa9: {  	s6 =	sadd.s32 @p0 $0x11B8D, s6;
	s7 =	sshll.u32 @p0 s5, $0x11  }
0xaa: {  	s6 =	sor.u32 @p0 s7, s6  }
0xab: {  	[sflag:s6] =	ssyncadd.remote.s32 @p0 $0x1;
	_ =	sdelay $0x1  }
0xac: {  	s6 =	simm.s32 @p0 $0x1B8D  }
0xad: {  	_ =	swait.eq @p0 [sflag:s6], $0x1  }
0xae: {  	[sflag:s6] =	ssyncadd.s32 @p0 $0xFFFFFFFF  }
0xaf: {  	s7 =	sshll.u32 @!p0 s1, $0xE  }
0xb0: {  	s7 =	sor.u32 @!p0 $0x4000, s7;
	s6 =	simm.s32 @!p0 $0x1B8D  }
0xb1: {  	s5 =	sshll.u32 @!p0 s5, $0x11;
	s7 =	sadd.s32 @!p0 $0x11B8D, s7;
	_ =	swait.eq @!p0 [sflag:s6], $0x1  }
0xb2: {  	s5 =	sor.u32 @!p0 s5, s7;
	[sflag:s6] =	ssyncadd.s32 @!p0 $0xFFFFFFFF  }
0xb3: {  	s25 =	simm.s32 $0x1B8E;
	s24 =	sld [smem:$0x3FFE];
	[sflag:s5] =	ssyncadd.remote.s32 @!p0 $0x1  }
0xb4: {  	s26 =	simm.s32 $execute0_lowered;
	[smem:$0x3FD2] =	sst s25  }
0xb5: {  	s6 =	sshll.u32 s26, $0x1;
	_ =	strace $0x80000049;
	[dreg:$0x1] =	wrdreg $0xFFFFFFFF  }
0xb6: {  	s28 =	simm.s32 $_size_execute0_lowered;
	s4 =	sadd.s32 s4, s6;
	[dreg:$0x0] =	wrdreg $0x0  }
0xb7: {  	s6 =	sshll.u32 s28, $0x1;
	[dreg:$0x2] =	wrdreg s4  }
0xb8: {  	[dreg:$0x3] =	wrdreg s6  }
0xb9: {  	[dreg:$0x4] =	wrdreg $0xC0  }
0xba: {  	_ =	task [dreg:s22], $0x5FFFF  }
0xbb: {  	[dreg:$0x1] =	wrdreg $0xFFFFFFFF  }
0xbc: {  	[dreg:$0x0] =	wrdreg $0x60  }
0xbd: {  	[dreg:$0x2] =	wrdreg s18  }
0xbe: {  	[dreg:$0x3] =	wrdreg s24  }
0xbf: {  	[dreg:$0x4] =	wrdreg $0x9  }
0xc0: {  	_ =	task.clear_ibuf [dreg:s22], $0x5FFFF;
	_ =	strace $0x90000049  }
0xc1: {  	s29 =	simm.s32 $0x9;
	_ =	strace $0x8000004B  }
0xc2: {  	_ =	swait.ge [sflag:s29], $0x1  }
0xc3: {  	[sflag:s29] =	ssyncadd.s32 $0xFFFFFFFF  }
0xc4: {  	_ =	strace $0x9000004B  }
0xc5: {  	_ =	sfence  }
0xc6: {  	s30 =	sld [smem:$0x0];
	_ =	sdelay $0x2  }
0xc7: {  	s31 =	sshll.u32 s1, $0xD;
	s1 =	sshrl.u32 s1, $0x2  }
0xc8: {  	s4 =	sand.u32 $0x4000, s31;
	s1 =	sadd.s32 s1, s30  }
0xc9: {  	s0 =	sor.u32 s4, s0;
	s1 =	sshll.u32 s1, $0x11  }
0xca: {  	s0 =	sor.u32 s1, s0  }
0xcb: {  	s0 =	sadd.s32 $0x8F2B, s0  }
0xcc: {  	[sflag:s0] =	ssyncadd.remote.s32 $0x1  }
0xcd: {  	_ =	sfence.sel $0xFFFF  }
0xce: {  	[dreg:$0x0] =	wrdreg $0xFFFFFFFF;
	(pc) =	sbr.abs _section_cstart, $3  }
0xcf: {  	[dreg:$0x1] =	wrdreg $0xFFFFFFFF  }
0xd0: {  	_ =	task.clear_ibuf [dreg:s22], $0x2FFFF;
	_ =	strace $0x9FFFFFFF  }
0xd1: {  	(tm) =	ssettm $0x7FFFFFFF  }
tec
execute0_lowered:
.L_overlay_start_1:
0x0: {  	(tag) =	ssettag $0x1  }
0x1: {  	s1 =	srdreg.scid;
	s2 =	rddreg [dreg:$0x0]  }
0x2: {  	s0 =	stileid.u32;
	s5 =	rddreg [dreg:$0x1];
	s3 =	simm.s32 $0x0  }
0x3: {  	s10 =	simm.s32 $0x4C00;
	s11 =	simm.s32 $0x8C00;
	s12 =	simm.s32 $0xCC00  }
0x4: {  	s13 =	simm.s32 $0x1;
	s14 =	simm.s32 $0x2;
	s15 =	simm.s32 $0x3  }
0x5: {  	s16 =	simm.s32 $0x4;
	s17 =	simm.s32 $0x5;
	s18 =	simm.s32 $0x6  }
0x6: {  	s19 =	simm.s32 $0x7;
	s20 =	simm.s32 $0x8;
	s4 =	sand.u32 $0x1, s1  }
0x7: {  	s30 =	sshll.u32 s0, $0x1;
	s7 =	smul.u32 $0x14000, s0;
	[smem:$0x7FF] =	sst s3  }
0x8: {  	s1 =	sor.u32 s4, s30;
	s8 =	ssub.s32 $0x2, s4;
	s4 =	smul.u32 $0xA000, s4  }
0x9: {  	s21 =	simm.s32 $0x0;
	s6 =	smul.u32 $0x180, s1;
	s1 =	rddreg [dreg:$0x2]  }
0xa: {  	_ =	strace $0x8000004A;
	s7 =	sadd.s32 s7, s5;
	s9 =	sshrl.u32 s8, $0x1  }
0xb: {  	s31 =	ssub.s32 s8, s9;
	s7 =	sadd.s32 s4, s7;
	s8 =	simm.s32 $0x80  }
0xc: {  	s9 =	simm.s32 $0xC00;
	s5 =	sadd.s32 s6, s5;
	s6 =	sadd.s32 $0x151600, s7  }
0xd: {  	s7 =	simm.s32 $0x9;
	s4 =	sadd.s32 $0x14CE00, s5;
	s5 =	smax.u32 s31, $0x1  }
.LBB2_1:
0xe: {  	[tilespmem:s3], [sflag:$0x9] =	stream.linear.gather [hbm4b:s4+s3], $0xA00, $0x38;
	[tilespmem:$0x10C00] =	vst v63  }
0xf: {  	_ =	swait.ge [sflag:s7], $0xA00  }
0x10: {  	[sflag:s7] =	ssyncset.done $0x0  }
0x11: {  	s22 =	simm.s32 $0x0;
	[sflag:s7] =	ssyncadd.s32 $0xFFFFF600  }
0x12: {  	[tilespmem:s9], [sflag:$0x1] =	stream.indirect.gather [hbm4b:s2+s8], $0x80, s22, s8, $0xb8;
	[tilespmem:$0x10C00] =	vst v63  }
0x13: {  	s25 =	simm.s32 $0x80  }
0x14: {  	[tilespmem:s10], [sflag:$0x2] =	stream.indirect.gather [hbm4b:s2+s8], $0x80, s25, s8, $0xb8;
	[tilespmem:$0x10C00] =	vst v63  }
0x15: {  	s26 =	simm.s32 $0x100  }
0x16: {  	[tilespmem:s11], [sflag:$0x3] =	stream.indirect.gather [hbm4b:s2+s8], $0x80, s26, s8, $0xb8;
	[tilespmem:$0x10C00] =	vst v63  }
0x17: {  	s28 =	simm.s32 $0x180  }
0x18: {  	[tilespmem:s12], [sflag:$0x4] =	stream.indirect.gather [hbm4b:s2+s8], $0x80, s28, s8, $0xb8;
	[tilespmem:$0x10C00] =	vst v63  }
0x19: {  	_ =	swait.ge [sflag:s13], $0x4000  }
0x1a: {  	[sflag:s13] =	ssyncset.done $0x0  }
0x1b: {  	s29 =	sadd.s32 $0xFFFFE800, s6;
	[sflag:s13] =	ssyncadd.s32 $0xFFFFC000  }
0x1c: {  	[hbm4b:s29+s3] =	stream.linear.scatter [tilespmem:s9], [sflag:$0x5], $0x4000, $0x38;
	[tilespmem:$0x10C00] =	vst v63  }
0x1d: {  	_ =	swait.ge [sflag:s14], $0x4000  }
0x1e: {  	[sflag:s14] =	ssyncset.done $0x0  }
0x1f: {  	s30 =	sadd.s32 $0xFFFFF000, s6;
	[sflag:s14] =	ssyncadd.s32 $0xFFFFC000  }
0x20: {  	[hbm4b:s30+s3] =	stream.linear.scatter [tilespmem:s10], [sflag:$0x6], $0x4000, $0x38;
	[tilespmem:$0x10C00] =	vst v63  }
0x21: {  	_ =	swait.ge [sflag:s15], $0x4000  }
0x22: {  	[sflag:s15] =	ssyncset.done $0x0  }
0x23: {  	s31 =	sadd.s32 $0xFFFFF800, s6;
	[sflag:s15] =	ssyncadd.s32 $0xFFFFC000  }
0x24: {  	[hbm4b:s31+s3] =	stream.linear.scatter [tilespmem:s11], [sflag:$0x7], $0x4000, $0x38;
	[tilespmem:$0x10C00] =	vst v63  }
0x25: {  	_ =	swait.ge [sflag:s16], $0x4000  }
0x26: {  	[sflag:s16] =	ssyncset.done $0x0  }
0x27: {  	[sflag:s16] =	ssyncadd.s32 $0xFFFFC000  }
0x28: {  	[hbm4b:s6+s3] =	stream.linear.scatter [tilespmem:s12], [sflag:$0x8], $0x4000, $0x38;
	[tilespmem:$0x10C00] =	vst v63  }
0x29: {  	_ =	swait.ge [sflag:s17], $0x4000  }
0x2a: {  	[sflag:s17] =	ssyncset.done $0x0  }
0x2b: {  	[sflag:s17] =	ssyncadd.s32 $0xFFFFC000  }
0x2c: {  	_ =	swait.ge [sflag:s18], $0x4000  }
0x2d: {  	[sflag:s18] =	ssyncset.done $0x0  }
0x2e: {  	[sflag:s18] =	ssyncadd.s32 $0xFFFFC000  }
0x2f: {  	_ =	swait.ge [sflag:s19], $0x4000  }
0x30: {  	[sflag:s19] =	ssyncset.done $0x0  }
0x31: {  	[sflag:s19] =	ssyncadd.s32 $0xFFFFC000  }
0x32: {  	s23 =	simm.s32 $0x800;
	_ =	swait.ge [sflag:s20], $0x4000  }
0x33: {  	s22 =	sadd.s32 $0x2000, s6;
	s25 =	simm.s32 $0x1000;
	[sflag:s20] =	ssyncset.done $0x0  }
.LBB2_2:
0x34: {  	s26 =	sshra.s32 s23, $0x2  }
0x35: {  	[sflag:s20] =	ssyncadd.s32 $0xFFFFC000;
	s23 =	smov.u32 s25;
	s24 =	sadd.s32 $0x800, s25  }
0x36: {  	[tilespmem:s9], [sflag:$0x1] =	stream.indirect.gather [hbm4b:s2+s8], $0x80, s26, s8, $0xb8;
	[tilespmem:$0x10C00] =	vst v63  }
0x37: {  	p0 =	sne.s32 s25, $0x2000;
	s25 =	sadd.s32 $0x80, s26  }
0x38: {  	[tilespmem:s10], [sflag:$0x2] =	stream.indirect.gather [hbm4b:s2+s8], $0x80, s25, s8, $0xb8;
	[tilespmem:$0x10C00] =	vst v63  }
0x39: {  	s25 =	sadd.s32 $0x100, s26  }
0x3a: {  	[tilespmem:s11], [sflag:$0x3] =	stream.indirect.gather [hbm4b:s2+s8], $0x80, s25, s8, $0xb8;
	[tilespmem:$0x10C00] =	vst v63  }
0x3b: {  	s25 =	sadd.s32 $0x180, s26  }
0x3c: {  	[tilespmem:s12], [sflag:$0x4] =	stream.indirect.gather [hbm4b:s2+s8], $0x80, s25, s8, $0xb8;
	[tilespmem:$0x10C00] =	vst v63  }
0x3d: {  	_ =	swait.ge [sflag:s13], $0x4000  }
0x3e: {  	[sflag:s13] =	ssyncset.done $0x0  }
0x3f: {  	s25 =	sadd.s32 $0xFFFFE800, s22;
	[sflag:s13] =	ssyncadd.s32 $0xFFFFC000  }
0x40: {  	[hbm4b:s25+s3] =	stream.linear.scatter [tilespmem:s9], [sflag:$0x5], $0x4000, $0x38;
	[tilespmem:$0x10C00] =	vst v63  }
0x41: {  	_ =	swait.ge [sflag:s14], $0x4000  }
0x42: {  	[sflag:s14] =	ssyncset.done $0x0  }
0x43: {  	s25 =	sadd.s32 $0xFFFFF000, s22;
	[sflag:s14] =	ssyncadd.s32 $0xFFFFC000  }
0x44: {  	[hbm4b:s25+s3] =	stream.linear.scatter [tilespmem:s10], [sflag:$0x6], $0x4000, $0x38;
	[tilespmem:$0x10C00] =	vst v63  }
0x45: {  	_ =	swait.ge [sflag:s15], $0x4000  }
0x46: {  	[sflag:s15] =	ssyncset.done $0x0  }
0x47: {  	s25 =	sadd.s32 $0xFFFFF800, s22;
	[sflag:s15] =	ssyncadd.s32 $0xFFFFC000  }
0x48: {  	[hbm4b:s25+s3] =	stream.linear.scatter [tilespmem:s11], [sflag:$0x7], $0x4000, $0x38;
	[tilespmem:$0x10C00] =	vst v63  }
0x49: {  	_ =	swait.ge [sflag:s16], $0x4000  }
0x4a: {  	[sflag:s16] =	ssyncset.done $0x0  }
0x4b: {  	[sflag:s16] =	ssyncadd.s32 $0xFFFFC000  }
0x4c: {  	[hbm4b:s22+s3] =	stream.linear.scatter [tilespmem:s12], [sflag:$0x8], $0x4000, $0x38;
	[tilespmem:$0x10C00] =	vst v63  }
0x4d: {  	_ =	swait.ge [sflag:s17], $0x4000  }
0x4e: {  	[sflag:s17] =	ssyncset.done $0x0  }
0x4f: {  	[sflag:s17] =	ssyncadd.s32 $0xFFFFC000  }
0x50: {  	_ =	swait.ge [sflag:s18], $0x4000  }
0x51: {  	[sflag:s18] =	ssyncset.done $0x0  }
0x52: {  	[sflag:s18] =	ssyncadd.s32 $0xFFFFC000  }
.Ltmp0:
0x53: {  	_ =	swait.ge [sflag:s19], $0x4000;
	(pc) =	sbr.rel @p0 .LBB2_2-.Ltmp0, $4  }
0x54: {  	[sflag:s19] =	ssyncset.done $0x0  }
0x55: {  	[sflag:s19] =	ssyncadd.s32 $0xFFFFC000  }
0x56: {  	_ =	swait.ge [sflag:s20], $0x4000  }
0x57: {  	s25 =	smov.u32 s24;
	s22 =	sadd.s32 $0x2000, s22;
	[sflag:s20] =	ssyncset.done $0x0  }
0x58: {  	s23 =	sshra.s32 s23, $0x2;
	[sflag:s20] =	ssyncadd.s32 $0xFFFFC000  }
0x59: {  	[tilespmem:s9], [sflag:$0x1] =	stream.indirect.gather [hbm4b:s2+s8], $0x80, s23, s8, $0xb8;
	[tilespmem:$0x10C00] =	vst v63  }
0x5a: {  	s24 =	sadd.s32 $0x80, s23  }
0x5b: {  	[tilespmem:s10], [sflag:$0x2] =	stream.indirect.gather [hbm4b:s2+s8], $0x80, s24, s8, $0xb8;
	[tilespmem:$0x10C00] =	vst v63  }
0x5c: {  	s28 =	sadd.s32 $0x100, s23  }
0x5d: {  	[tilespmem:s11], [sflag:$0x3] =	stream.indirect.gather [hbm4b:s2+s8], $0x80, s28, s8, $0xb8;
	[tilespmem:$0x10C00] =	vst v63  }
0x5e: {  	s23 =	sadd.s32 $0x180, s23  }
0x5f: {  	[tilespmem:s12], [sflag:$0x4] =	stream.indirect.gather [hbm4b:s2+s8], $0x80, s23, s8, $0xb8;
	[tilespmem:$0x10C00] =	vst v63  }
0x60: {  	_ =	swait.ge [sflag:s13], $0x4000  }
0x61: {  	[sflag:s13] =	ssyncset.done $0x0  }
0x62: {  	s29 =	sadd.s32 $0xFFFFE800, s22;
	[sflag:s13] =	ssyncadd.s32 $0xFFFFC000  }
0x63: {  	[hbm4b:s29+s3] =	stream.linear.scatter [tilespmem:s9], [sflag:$0x5], $0x4000, $0x38;
	[tilespmem:$0x10C00] =	vst v63  }
0x64: {  	_ =	swait.ge [sflag:s14], $0x4000  }
0x65: {  	[sflag:s14] =	ssyncset.done $0x0  }
0x66: {  	s30 =	sadd.s32 $0xFFFFF000, s22;
	[sflag:s14] =	ssyncadd.s32 $0xFFFFC000  }
0x67: {  	[hbm4b:s30+s3] =	stream.linear.scatter [tilespmem:s10], [sflag:$0x6], $0x4000, $0x38;
	[tilespmem:$0x10C00] =	vst v63  }
0x68: {  	_ =	swait.ge [sflag:s15], $0x4000  }
0x69: {  	[sflag:s15] =	ssyncset.done $0x0  }
0x6a: {  	s31 =	sadd.s32 $0xFFFFF800, s22;
	[sflag:s15] =	ssyncadd.s32 $0xFFFFC000  }
0x6b: {  	[hbm4b:s31+s3] =	stream.linear.scatter [tilespmem:s11], [sflag:$0x7], $0x4000, $0x38;
	[tilespmem:$0x10C00] =	vst v63  }
0x6c: {  	_ =	swait.ge [sflag:s16], $0x4000  }
0x6d: {  	[sflag:s16] =	ssyncset.done $0x0  }
0x6e: {  	[sflag:s16] =	ssyncadd.s32 $0xFFFFC000  }
0x6f: {  	[hbm4b:s22+s3] =	stream.linear.scatter [tilespmem:s12], [sflag:$0x8], $0x4000, $0x38;
	[tilespmem:$0x10C00] =	vst v63  }
0x70: {  	_ =	swait.ge [sflag:s17], $0x4000  }
0x71: {  	[sflag:s17] =	ssyncset.done $0x0  }
0x72: {  	[sflag:s17] =	ssyncadd.s32 $0xFFFFC000  }
0x73: {  	_ =	swait.ge [sflag:s18], $0x4000  }
0x74: {  	[sflag:s18] =	ssyncset.done $0x0  }
0x75: {  	s21 =	sadd.s32 $0x1, s21;
	[sflag:s18] =	ssyncadd.s32 $0xFFFFC000  }
0x76: {  	p0 =	sne.s32 s21, s5;
	_ =	swait.ge [sflag:s19], $0x4000  }
.Ltmp1:
0x77: {  	[sflag:s19] =	ssyncset.done $0x0;
	(pc) =	sbr.rel @p0 .LBB2_1-.Ltmp1, $4  }
0x78: {  	[sflag:s19] =	ssyncadd.s32 $0xFFFFC000  }
0x79: {  	_ =	swait.ge [sflag:s20], $0x4000  }
0x7a: {  	[sflag:s20] =	ssyncset.done $0x0  }
0x7b: {  	[sflag:s20] =	ssyncadd.s32 $0xFFFFC000  }
0x7c: {  	_ =	sfence.sel $0x180000  }
0x7d: {  	[bflag:$0x0] =	sbarrier.arrive $0xFFFF  }
0x7e: {  	p0 =	sne.s32 s0, $0x0;
	_ =	strace $0x9000004A  }
0x7f: {  	s0 =	sadd.s32 @!p0 $0x100000, s1;
	[bflag:$0x2] =	sbarrier.arrive $0xFFFF  }
0x80: {  	[sflag:s0] =	ssyncadd.tile.s32 @!p0 $0x1;
	_ =	shalt  }
.Lfunc_end2:
_tile_overlayer_lowered:
.L_overlay_start_2:
0x81: {  	(tag) =	ssettag $0x2  }
0x82: {  	s0 =	rddreg [dreg:$0x0];
	s2 =	stileid.u32  }
0x83: {  	s1 =	rddreg [dreg:$0x1];
	p0 =	sne.s32 s2, $0x0  }
0x84: {  	s3 =	rddreg [dreg:$0x2];
	[bflag:$0x3] =	sbarrier.arrive $0xFFFF;
	s2 =	simm.s32 @!p0 $0x1C09  }
0x85: {  	[timem:s3], [sflag:s2] =	dma.local @!p0 [hbm:s0], s1  }
0x86: {  	s0 =	simm.s32 @!p0 $0x9  }
0x87: {  	_ =	swait.ge @!p0 [sflag:s0], s1  }
0x88: {  	s1 =	ssub.s32 @!p0 $0x0, s1;
	[sflag:s0] =	ssyncset.done @!p0 $0x0  }
0x89: {  	[sflag:s0] =	ssyncadd.s32 @!p0 s1  }
0x8a: {  	[bflag:$0x3] =	sbarrier.arrive $0xFFFF  }
0x8b: {  	_ =	shalt  }

// kernel: kernel.19.cloned.1.call-start
scs
__scs_entry_jumppad:
0x0: {  	(pc) =	sbr.rel $0x88, $3  }
0x1: {  	(tag) =	ssettag $0x0;
	lr =	simm.s32 $0x1  }
0x2: {  	[smem:$0x3F95] =	sst lr;
	_ =	strace $0xD0000000  }
0x3: {  	_ = 	snop  }
0x4: {  	_ = 	snop  }
0x5: {  	_ = 	snop  }
0x6: {  	_ = 	snop  }
0x7: {  	_ = 	snop  }
__scs_overlays_trampoline_lowered:
0x8: {  	[smem:$0x3FA4] =	sst s0  }
0x9: {  	[smem:$0x3FA5] =	sst s1  }
0xa: {  	[smem:$0x3FA6] =	sst s2  }
0xb: {  	[smem:$0x3FA7] =	sst s3  }
0xc: {  	[smem:$0x3FA8] =	sst s4  }
0xd: {  	[smem:$0x3FA9] =	sst s5  }
0xe: {  	[smem:$0x3FAA] =	sst s6  }
0xf: {  	[smem:$0x3FAB] =	sst s7  }
0x10: {  	[smem:$0x3FAC] =	sst s8  }
0x11: {  	[smem:$0x3FAD] =	sst s9;
	s0 =	simm.s32 @!p0 $0x0  }
0x12: {  	s1 =	sld [smem:$0x3F93];
	s0 =	simm.s32 @p0 $0x1  }
0x13: {  	[smem:$0x3FAE] =	sst s0;
	s0 =	simm.s32 @!p1 $0x0  }
0x14: {  	s2 =	sld [smem:$0x3F92];
	s0 =	simm.s32 @p1 $0x1  }
0x15: {  	[smem:$0x3FAF] =	sst s0;
	s0 =	simm.s32 @!p2 $0x0  }
0x16: {  	s3 =	sld [smem:$0x3FDB];
	s0 =	simm.s32 @p2 $0x1  }
0x17: {  	s4 =	simm.s32 $0x1BF5;
	[smem:$0x3FB1] =	sst s0  }
0x18: {  	s0 =	sld [smem:$0x3F94];
	_ =	swait.ge [sflag:s4], $0x0  }
0x19: {  	s7 =	sld [smem:$0x3F95]  }
0x1a: {  	s8 =	sadd.s32 $0xFFFFE003, lr  }
0x1b: {  	s9 =	sadd.s32 $0xFFFFFEF7, lr;
	s5 =	simm.s32 $0xFFFFFFFF;
	p2 =	slt.u32 s8, $0xFFFFF086  }
0x1c: {  	p1 =	slt.u32 s9, $0xF7A;
	s5 =	simm.s32 @!p2 $0x0  }
0x1d: {  	s5 =	simm.s32 @p1 $0x1;
	p0 =	seq.s32 s7, s2  }
0x1e: {  	s7 =	smul.u32 @!p0 $0xF7A, s2;
	p2 =	seq.s32 @!p0 s5, $0x0  }
0x1f: {  	s9 =	smul.u32 $0xF7A, s1;
	s8 =	simm.s32 @!p0 $0x1BF5;
	p2 =	por !p2, p0  }
0x20: {  	[sflag:s8] =	ssyncset.s32 @!p0 $0xFFFFF086;
	s6 =	sadd.s32 @!p0 s3, s7;
	s7 =	simm.s32 @!p0 $0x108  }
0x21: {  	s3 =	sadd.s32 s3, s9;
	s6 =	sadd.s32 @!p0 $0x88, s6;
	s7 =	simm.s32 @p2 $0x1082  }
0x22: {  	[simem:s7], [sflag:s8] =	dma.local @!p0 [hbm:s6], $0xF7A  }
0x23: {  	s9 =	sor.u32 $0xD0000000, s2;
	s6 =	simm.s32 $0x108;
	_ =	swait.ge @!p0 [sflag:s8], $0x0  }
0x24: {  	s3 =	sadd.s32 $0x88, s3;
	s6 =	simm.s32 @!p1 $0x1082;
	[sflag:s4] =	ssyncset.s32 $0xFFFFF086  }
0x25: {  	[simem:s6], [sflag:s4] =	dma.local [hbm:s3], $0xF7A  }
0x26: {  	[smem:$0x3F95] =	sst s1;
	(tag) =	ssettag s2;
	_ =	strace s9  }
0x27: {  	s1 =	sld [smem:$0x3FA5]  }
0x28: {  	s2 =	sld [smem:$0x3FA6]  }
0x29: {  	s4 =	sld [smem:$0x3FA8]  }
0x2a: {  	p0 =	seq.s32 s5, $0x0;
	s5 =	sld [smem:$0x3FA9]  }
0x2b: {  	s6 =	sld [smem:$0x3FAA]  }
0x2c: {  	s7 =	sld [smem:$0x3FAB]  }
0x2d: {  	s3 =	simm.s32 $0x108;
	s8 =	sld [smem:$0x3FAC]  }
0x2e: {  	s3 =	simm.s32 @!p0 $0x1082;
	s9 =	sld [smem:$0x3FAD]  }
0x2f: {  	lr =	sadd.s32 s0, s3;
	s0 =	sld [smem:$0x3FA4]  }
0x30: {  	s3 =	sld [smem:$0x3FA7]  }
0x31: {  	[smem:$0x3FB0] =	sst s10  }
0x32: {  	s10 =	sld [smem:$0x3FAE];
	_ =	sdelay $0x3  }
0x33: {  	p0 =	seq.s32 s10, $0x1;
	s10 =	sld [smem:$0x3FB0];
	_ =	sdelay $0x3  }
0x34: {  	[smem:$0x3FB0] =	sst s10  }
0x35: {  	s10 =	sld [smem:$0x3FAF];
	_ =	sdelay $0x3  }
0x36: {  	p1 =	seq.s32 s10, $0x1;
	s10 =	sld [smem:$0x3FB0];
	_ =	sdelay $0x3  }
0x37: {  	[smem:$0x3FB0] =	sst s10  }
0x38: {  	s10 =	sld [smem:$0x3FB1]  }
0x39: {  	_ = 	snop;
	(pc) =	sbr.ind lr, $3  }
0x3a: {  	_ = 	snop  }
0x3b: {  	_ = 	snop  }
0x3c: {  	p2 =	seq.s32 s10, $0x1;
	s10 =	sld [smem:$0x3FB0]  }
0x3d: {  	_ =	shalt  }
0x3e: {  	_ =	shalt  }
0x3f: {  	_ =	shalt  }
0x40: {  	_ =	shalt  }
0x41: {  	_ =	shalt  }
0x42: {  	_ =	shalt  }
0x43: {  	_ =	shalt  }
0x44: {  	_ =	shalt  }
0x45: {  	_ =	shalt  }
0x46: {  	_ =	shalt  }
0x47: {  	_ =	shalt  }
0x48: {  	_ =	shalt  }
0x49: {  	_ =	shalt  }
0x4a: {  	_ =	shalt  }
0x4b: {  	_ =	shalt  }
0x4c: {  	_ =	shalt  }
0x4d: {  	_ =	shalt  }
0x4e: {  	_ =	shalt  }
0x4f: {  	_ =	shalt  }
0x50: {  	_ =	shalt  }
0x51: {  	_ =	shalt  }
0x52: {  	_ =	shalt  }
0x53: {  	_ =	shalt  }
0x54: {  	_ =	shalt  }
0x55: {  	_ =	shalt  }
0x56: {  	_ =	shalt  }
0x57: {  	_ =	shalt  }
0x58: {  	_ =	shalt  }
0x59: {  	_ =	shalt  }
0x5a: {  	_ =	shalt  }
0x5b: {  	_ =	shalt  }
0x5c: {  	_ =	shalt  }
0x5d: {  	_ =	shalt  }
0x5e: {  	_ =	shalt  }
0x5f: {  	_ =	shalt  }
0x60: {  	_ =	shalt  }
0x61: {  	_ =	shalt  }
0x62: {  	_ =	shalt  }
0x63: {  	_ =	shalt  }
0x64: {  	_ =	shalt  }
0x65: {  	_ =	shalt  }
0x66: {  	_ =	shalt  }
0x67: {  	_ =	shalt  }
0x68: {  	_ =	shalt  }
0x69: {  	_ =	shalt  }
0x6a: {  	_ =	shalt  }
0x6b: {  	_ =	shalt  }
0x6c: {  	_ =	shalt  }
0x6d: {  	_ =	shalt  }
0x6e: {  	_ =	shalt  }
0x6f: {  	_ =	shalt  }
0x70: {  	_ =	shalt  }
0x71: {  	_ =	shalt  }
0x72: {  	_ =	shalt  }
0x73: {  	_ =	shalt  }
0x74: {  	_ =	shalt  }
0x75: {  	_ =	shalt  }
0x76: {  	_ =	shalt  }
0x77: {  	_ =	shalt  }
0x78: {  	_ =	shalt  }
0x79: {  	_ =	shalt  }
0x7a: {  	_ =	shalt  }
0x7b: {  	_ =	shalt  }
0x7c: {  	_ =	shalt  }
0x7d: {  	_ =	shalt  }
0x7e: {  	_ =	shalt  }
0x7f: {  	_ =	shalt  }
0x80: {  	_ =	shalt  }
0x81: {  	_ =	shalt  }
0x82: {  	_ =	shalt  }
0x83: {  	_ =	shalt  }
0x84: {  	_ =	shalt  }
0x85: {  	_ =	shalt  }
0x86: {  	_ =	shalt  }
0x87: {  	_ =	shalt  }
.Lfunc_end0:
.L_simem_size_0:
called_computation.3_lowered:
.L_overlay_start_0:
0x88: {  	s2 =	sld [smem:$0x3FD9]  }
0x89: {  	s3 =	sld [smem:$0x3FFE];
	_ =	sdelay $0x1  }
0x8a: {  	s1 =	srdreg.scid  }
0x8b: {  	s0 =	sand.u32 $0x1, s1  }
0x8c: {  	s16 =	sshll.u32 s0, $0xA;
	s2 =	sadd.s32 s3, s2  }
0x8d: {  	s2 =	sadd.s32 s2, s16  }
0x8e: {  	[smem:$0x3FBC] =	sst s2  }
0x8f: {  	_ = 	snop  }
0x90: {  	(tm) =	ssettm $0x1  }
0x91: {  	s17 =	sld [smem:$0x3FFB];
	_ =	sdelay $0x3  }
0x92: {  	_ =	strace s17  }
0x93: {  	s2 =	sld [smem:$0x3FFC];
	_ =	sdelay $0x3  }
0x94: {  	_ =	strace s2  }
0x95: {  	s2 =	sld [smem:$0x3FFD];
	_ =	sdelay $0x3  }
0x96: {  	_ =	strace s2  }
0x97: {  	_ =	strace $0x8FFFFFFF  }
0x98: {  	s18 =	sld [smem:$0x3FDB];
	_ =	sdelay $0x1  }
0x99: {  	s19 =	simm.s32 $_scs_section_size  }
0x9a: {  	s4 =	simm.s32 $_size__tile_overlayer_lowered;
	s5 =	simm.s32 $_tile_overlayer_lowered  }
0x9b: {  	s22 =	simm.s32 $0x1BFF;
	s21 =	sshll.u32 s5, $0x1;
	s2 =	sadd.s32 s19, s18  }
0x9c: {  	s6 =	simm.s32 $0x0;
	s20 =	sshll.u32 s4, $0x1;
	s4 =	sadd.s32 s21, s2  }
0x9d: {  	[timem:s6], [sflag:s22] =	dma.local [hbm:s4], s20  }
0x9e: {  	_ =	swait.ge [sflag:s22], s20  }
0x9f: {  	s3 =	ssub.s32 $0x0, s20;
	[sflag:s22] =	ssyncset.done $0x0  }
0xa0: {  	[sflag:s22] =	ssyncadd.s32 s3;
	_ =	sdelay $0x1  }
0xa1: {  	s23 =	simm.s32 $0x1B8B  }
0xa2: {  	_ =	swait.ge [sflag:s23], $0x1  }
0xa3: {  	[sflag:s23] =	ssyncset.done $0x0  }
0xa4: {  	s25 =	simm.s32 $0x1B8E;
	s24 =	sld [smem:$0x3FFE];
	[sflag:s23] =	ssyncadd.s32 $0xFFFFFFFF  }
0xa5: {  	s26 =	simm.s32 $execute0_lowered;
	[smem:$0x3FD2] =	sst s25  }
0xa6: {  	s4 =	sshll.u32 s26, $0x1;
	_ =	strace $0x8000004F;
	[dreg:$0x1] =	wrdreg $0xFFFFFFFF  }
0xa7: {  	s28 =	simm.s32 $_size_execute0_lowered;
	s2 =	sadd.s32 s2, s4;
	[dreg:$0x0] =	wrdreg $0x0  }
0xa8: {  	s4 =	sshll.u32 s28, $0x1;
	[dreg:$0x2] =	wrdreg s2  }
0xa9: {  	[dreg:$0x3] =	wrdreg s4  }
0xaa: {  	[dreg:$0x4] =	wrdreg $0xC0  }
0xab: {  	_ =	task [dreg:s6], $0x5FFFF  }
0xac: {  	[dreg:$0x1] =	wrdreg $0xFFFFFFFF  }
0xad: {  	[dreg:$0x0] =	wrdreg $0x60  }
0xae: {  	[dreg:$0x2] =	wrdreg s24  }
0xaf: {  	[dreg:$0x3] =	wrdreg $0x8C000  }
0xb0: {  	[dreg:$0x4] =	wrdreg $0x9  }
0xb1: {  	_ =	task.clear_ibuf [dreg:s6], $0x5FFFF;
	_ =	strace $0x9000004F  }
0xb2: {  	s29 =	simm.s32 $0x9;
	_ =	strace $0x80000051  }
0xb3: {  	_ =	swait.ge [sflag:s29], $0x1  }
0xb4: {  	[sflag:s29] =	ssyncadd.s32 $0xFFFFFFFF  }
0xb5: {  	_ =	strace $0x90000051  }
0xb6: {  	_ =	sfence  }
0xb7: {  	s30 =	sld [smem:$0x0];
	_ =	sdelay $0x2  }
0xb8: {  	s31 =	sshll.u32 s1, $0xD;
	s1 =	sshrl.u32 s1, $0x2  }
0xb9: {  	s3 =	sand.u32 $0x4000, s31;
	s1 =	sadd.s32 s1, s30  }
0xba: {  	s0 =	sor.u32 s3, s0;
	s1 =	sshll.u32 s1, $0x11  }
0xbb: {  	s0 =	sor.u32 s1, s0  }
0xbc: {  	s0 =	sadd.s32 $0x8F2B, s0  }
0xbd: {  	[sflag:s0] =	ssyncadd.remote.s32 $0x1  }
0xbe: {  	_ =	sfence.sel $0xFFFF  }
0xbf: {  	[dreg:$0x0] =	wrdreg $0xFFFFFFFF;
	(pc) =	sbr.abs _section_cstart, $3  }
0xc0: {  	[dreg:$0x1] =	wrdreg $0xFFFFFFFF  }
0xc1: {  	_ =	task.clear_ibuf [dreg:s6], $0x2FFFF;
	_ =	strace $0x9FFFFFFF  }
0xc2: {  	(tm) =	ssettm $0x7FFFFFFF  }
0xc3: {  	_ =	shalt  }
tec
execute0_lowered:
.L_overlay_start_1:
0x0: {  	(tag) =	ssettag $0x1  }
0x1: {  	s4 =	rddreg [dreg:$0x0]  }
0x2: {  	s2 =	rddreg [dreg:$0x1]  }
0x3: {  	s0 =	rddreg [dreg:$0x2];
	s1 =	stileid.u32  }
0x4: {  	s5 =	srdreg.scid;
	s3 =	simm.s32 $0x0;
	s13 =	simm.s32 $0x4C00  }
0x5: {  	s14 =	simm.s32 $0x1;
	s15 =	simm.s32 $0x80;
	s16 =	simm.s32 $0x3  }
0x6: {  	s17 =	simm.s32 $0x2;
	s18 =	simm.s32 $0x0;
	s6 =	smul.u32 $0x14000, s1  }
0x7: {  	s5 =	sand.u32 $0x1, s5;
	[smem:$0x7FF] =	sst s3;
	s10 =	smul.u32 $0x50000, s1  }
0x8: {  	s7 =	sshll.u32 s1, $0x1;
	s31 =	sshll.u32 s1, $0x6;
	s8 =	smul.u32 $0x140000, s5  }
0x9: {  	_ =	strace $0x80000050;
	s7 =	sor.u32 s5, s7;
	s26 =	ssub.s32 $0x2, s5  }
0xa: {  	s30 =	smul.u32 $0xA000, s5;
	s5 =	sor.u32 $0x1C04, s31;
	s9 =	sadd.s32 s6, s4  }
0xb: {  	s7 =	smul.u32 $0x180, s7;
	s28 =	sshrl.u32 s26, $0x1;
	s29 =	sshrl.u32 s10, $0x2  }
0xc: {  	s6 =	sadd.s32 s6, s8;
	s8 =	ssub.s32 s26, s28;
	s12 =	sadd.s32 s29, s2  }
0xd: {  	s9 =	sadd.s32 s30, s9;
	s6 =	sshrl.u32 s6, $0x3;
	s7 =	sadd.s32 s7, s4  }
0xe: {  	s8 =	smax.u32 s8, $0x1;
	s9 =	sadd.s32 $0x3D3600, s9;
	s10 =	sshrl.u32 s12, $0x3  }
0xf: {  	s12 =	simm.s32 $0xC00;
	s11 =	sadd.s32 s6, s4;
	s6 =	sadd.s32 $0xA2600, s7  }
0x10: {  	s4 =	sadd.s32 $0x52600, s11;
	s7 =	sadd.s32 $0x2600, s11;
	s11 =	simm.s32 $0x4  }
.LBB2_1:
0x11: {  	[spmem:s10], [sflag:s5] =	dma.local [hbm:s4], $0x2800  }
0x12: {  	_ =	swait.ge [sflag:s11], $0x2800  }
0x13: {  	[sflag:s11] =	ssyncset.done $0x0  }
0x14: {  	[sflag:s11] =	ssyncadd.s32 $0xFFFFD800  }
0x15: {  	[bflag:$0x0] =	sbarrier.arrive $0xFFFF  }
0x16: {  	[tilespmem:s3], [sflag:$0x4] =	stream.linear.gather [hbm4b:s6+s3], $0xA00, $0x38;
	[tilespmem:$0x1CC00] =	vst v63  }
0x17: {  	_ =	swait.ge [sflag:s11], $0xA00  }
0x18: {  	[sflag:s11] =	ssyncset.done $0x0  }
0x19: {  	s19 =	sadd.s32 $0xFFFFF800, s9;
	[sflag:s11] =	ssyncadd.s32 $0xFFFFF600  }
0x1a: {  	[tilespmem:s12], [sflag:$0x1] =	stream.linear.gather [hbm4b:s19+s3], $0x4000, $0x38;
	[tilespmem:$0x1CC00] =	vst v63  }
0x1b: {  	_ = 	snop  }
0x1c: {  	[tilespmem:s13], [sflag:$0x2] =	stream.linear.gather [hbm4b:s9+s3], $0x4000, $0x38;
	[tilespmem:$0x1CC00] =	vst v63  }
0x1d: {  	_ =	swait.ge [sflag:s14], $0x4000  }
0x1e: {  	[sflag:s14] =	ssyncset.done $0x0  }
0x1f: {  	s30 =	simm.s32 $0x0;
	[sflag:s14] =	ssyncadd.s32 $0xFFFFC000  }
0x20: {  	[spmem:s2] =	stream.indirect.scatter.add.f32 [tilespmem:s12], [sflag:$0x3], $0x80, s30, s15, $0xb8;
	[tilespmem:$0x1CC00] =	vst v63  }
0x21: {  	_ =	swait.ge [sflag:s16], $0x4000  }
0x22: {  	[sflag:s16] =	ssyncset.done $0x0  }
0x23: {  	[sflag:s16] =	ssyncadd.s32 $0xFFFFC000  }
0x24: {  	_ =	swait.ge [sflag:s17], $0x4000  }
0x25: {  	[sflag:s17] =	ssyncset.done $0x0  }
0x26: {  	s31 =	simm.s32 $0x80;
	[sflag:s17] =	ssyncadd.s32 $0xFFFFC000  }
0x27: {  	[spmem:s2] =	stream.indirect.scatter.add.f32 [tilespmem:s13], [sflag:$0x3], $0x80, s31, s15, $0xb8;
	[tilespmem:$0x1CC00] =	vst v63  }
0x28: {  	s21 =	simm.s32 $0x800;
	_ =	swait.ge [sflag:s16], $0x4000  }
0x29: {  	s20 =	sadd.s32 $0x1000, s9;
	s19 =	simm.s32 $0x400;
	[sflag:s16] =	ssyncset.done $0x0  }
.LBB2_2:
0x2a: {  	p0 =	sne.s32 s21, $0x2400;
	s22 =	sadd.s32 $0xFFFFF800, s20;
	[sflag:s16] =	ssyncadd.s32 $0xFFFFC000  }
0x2b: {  	[tilespmem:s12], [sflag:$0x1] =	stream.linear.gather [hbm4b:s22+s3], $0x4000, $0x38;
	[tilespmem:$0x1CC00] =	vst v63  }
0x2c: {  	s22 =	smov.u32 s21;
	s21 =	sadd.s32 $0x400, s21  }
0x2d: {  	[tilespmem:s13], [sflag:$0x2] =	stream.linear.gather [hbm4b:s20+s3], $0x4000, $0x38;
	[tilespmem:$0x1CC00] =	vst v63  }
0x2e: {  	_ =	swait.ge [sflag:s14], $0x4000  }
0x2f: {  	[sflag:s14] =	ssyncset.done $0x0  }
0x30: {  	s23 =	sshra.s32 s19, $0x2;
	s19 =	smov.u32 s22;
	[sflag:s14] =	ssyncadd.s32 $0xFFFFC000  }
0x31: {  	[spmem:s2] =	stream.indirect.scatter.add.f32 [tilespmem:s12], [sflag:$0x3], $0x80, s23, s15, $0xb8;
	[tilespmem:$0x1CC00] =	vst v63  }
0x32: {  	_ =	swait.ge [sflag:s16], $0x4000  }
0x33: {  	[sflag:s16] =	ssyncset.done $0x0  }
0x34: {  	[sflag:s16] =	ssyncadd.s32 $0xFFFFC000  }
0x35: {  	_ =	swait.ge [sflag:s17], $0x4000  }
.Ltmp0:
0x36: {  	[sflag:s17] =	ssyncset.done $0x0;
	(pc) =	sbr.rel @p0 .LBB2_2-.Ltmp0, $4  }
0x37: {  	s22 =	sadd.s32 $0x80, s23;
	[sflag:s17] =	ssyncadd.s32 $0xFFFFC000  }
0x38: {  	[spmem:s2] =	stream.indirect.scatter.add.f32 [tilespmem:s13], [sflag:$0x3], $0x80, s22, s15, $0xb8;
	[tilespmem:$0x1CC00] =	vst v63  }
0x39: {  	_ =	swait.ge [sflag:s16], $0x4000  }
0x3a: {  	s20 =	sadd.s32 $0x1000, s20;
	[sflag:s16] =	ssyncset.done $0x0  }
0x3b: {  	s21 =	sadd.s32 $0xFFFFF800, s20;
	[sflag:s16] =	ssyncadd.s32 $0xFFFFC000  }
0x3c: {  	[tilespmem:s12], [sflag:$0x1] =	stream.linear.gather [hbm4b:s21+s3], $0x4000, $0x38;
	[tilespmem:$0x1CC00] =	vst v63  }
0x3d: {  	_ = 	snop  }
0x3e: {  	[tilespmem:s13], [sflag:$0x2] =	stream.linear.gather [hbm4b:s20+s3], $0x4000, $0x38;
	[tilespmem:$0x1CC00] =	vst v63  }
0x3f: {  	_ =	swait.ge [sflag:s14], $0x4000  }
0x40: {  	[sflag:s14] =	ssyncset.done $0x0  }
0x41: {  	s19 =	sshra.s32 s19, $0x2;
	[sflag:s14] =	ssyncadd.s32 $0xFFFFC000  }
0x42: {  	[spmem:s2] =	stream.indirect.scatter.add.f32 [tilespmem:s12], [sflag:$0x3], $0x80, s19, s15, $0xb8;
	[tilespmem:$0x1CC00] =	vst v63  }
0x43: {  	_ =	swait.ge [sflag:s16], $0x4000  }
0x44: {  	[sflag:s16] =	ssyncset.done $0x0  }
0x45: {  	[sflag:s16] =	ssyncadd.s32 $0xFFFFC000  }
0x46: {  	_ =	swait.ge [sflag:s17], $0x4000  }
0x47: {  	[sflag:s17] =	ssyncset.done $0x0  }
0x48: {  	s19 =	sadd.s32 $0x80, s19;
	[sflag:s17] =	ssyncadd.s32 $0xFFFFC000  }
0x49: {  	[spmem:s2] =	stream.indirect.scatter.add.f32 [tilespmem:s13], [sflag:$0x3], $0x80, s19, s15, $0xb8;
	[tilespmem:$0x1CC00] =	vst v63  }
0x4a: {  	_ =	swait.ge [sflag:s16], $0x4000  }
0x4b: {  	s18 =	sadd.s32 $0x1, s18;
	[sflag:s16] =	ssyncset.done $0x0  }
0x4c: {  	p0 =	sne.s32 s18, s8;
	[sflag:s16] =	ssyncadd.s32 $0xFFFFC000  }
.Ltmp1:
0x4d: {  	[bflag:$0x0] =	sbarrier.arrive $0xFFFF;
	(pc) =	sbr.rel @p0 .LBB2_1-.Ltmp1, $4  }
0x4e: {  	[hbm:s7], [sflag:s5] =	dma.local [spmem:s10], $0x2800  }
0x4f: {  	_ =	swait.ge [sflag:s11], $0x2800  }
0x50: {  	[sflag:s11] =	ssyncset.done $0x0  }
0x51: {  	[sflag:s11] =	ssyncadd.s32 $0xFFFFD800  }
0x52: {  	_ =	sfence.sel $0x180000  }
0x53: {  	[bflag:$0x0] =	sbarrier.arrive $0xFFFF  }
0x54: {  	p0 =	sne.s32 s1, $0x0;
	_ =	strace $0x90000050  }
0x55: {  	s0 =	sadd.s32 @!p0 $0x100000, s0;
	[bflag:$0x2] =	sbarrier.arrive $0xFFFF  }
0x56: {  	[sflag:s0] =	ssyncadd.tile.s32 @!p0 $0x1;
	_ =	shalt  }
.Lfunc_end2:
_tile_overlayer_lowered:
.L_overlay_start_2:
0x57: {  	(tag) =	ssettag $0x2  }
0x58: {  	s0 =	rddreg [dreg:$0x0];
	s2 =	stileid.u32  }
0x59: {  	s1 =	rddreg [dreg:$0x1];
	p0 =	sne.s32 s2, $0x0  }
0x5a: {  	s3 =	rddreg [dreg:$0x2];
	[bflag:$0x3] =	sbarrier.arrive $0xFFFF;
	s2 =	simm.s32 @!p0 $0x1C04  }
0x5b: {  	[timem:s3], [sflag:s2] =	dma.local @!p0 [hbm:s0], s1  }
0x5c: {  	s0 =	simm.s32 @!p0 $0x4  }
0x5d: {  	_ =	swait.ge @!p0 [sflag:s0], s1  }
0x5e: {  	s1 =	ssub.s32 @!p0 $0x0, s1;
	[sflag:s0] =	ssyncset.done @!p0 $0x0  }
0x5f: {  	[sflag:s0] =	ssyncadd.s32 @!p0 s1  }
0x60: {  	[bflag:$0x3] =	sbarrier.arrive $0xFFFF  }
0x61: {  	_ =	shalt  }

</sc_bundles>
